<compile_context>
chip_gen: v7x
topology: tpu7x:2x2x1
jax: 0.10.2.dev20260603
libtpu: 0.0.44.dev20260713+nightly
codegen_flags: <defaults>
</compile_context>

<pallas_src>
import functools

import jax
import jax.numpy as jnp
from jax import lax
from jax.experimental import pallas as pl
from jax.experimental.pallas import tpu as pltpu, tpu_sc as plsc

_BS = 32
_N = 200
_D = 128
_F = 512
_K = 2048
_B = _BS * _N
_NW = 32
_BPW = _B // _NW


def _tc_body(x_ref, nk_ref, ak_ref, nkab_ref, akab_ref, colhl_ref,
             wc_ref, bc_ref, wp_ref, bp_ref,
             wpm1_ref, wpm2_ref, bpm_ref,
             rn_ref, st_ref):
    x = x_ref[0]
    z0 = jnp.dot(x, wc_ref[0], preferred_element_type=jnp.float32)
    z1 = jnp.dot(x, wc_ref[1], preferred_element_type=jnp.float32)
    z2 = jnp.dot(x, wc_ref[2], preferred_element_type=jnp.float32)
    zrow = jnp.zeros((1, _D), jnp.float32)
    y = z1 + jnp.concatenate([zrow, z0[:-1]], axis=0) \
           + jnp.concatenate([z2[1:], zrow], axis=0)
    q = jnp.maximum(y + bc_ref[...], 0.0)
    rn_ref[0] = q

    nk = nk_ref[...]
    ak = ak_ref[...]
    dn = (((1,), (1,)), ((), ()))
    sn = lax.dot_general(q, nk, dn, preferred_element_type=jnp.float32)
    sa = lax.dot_general(q, ak, dn, preferred_element_type=jnp.float32)

    mn = jnp.max(sn, axis=1, keepdims=True)
    ma = jnp.max(sa, axis=1, keepdims=True)
    maskn = jnp.where(sn >= mn, 1.0, 0.0).astype(jnp.bfloat16)
    maska = jnp.where(sa >= ma, 1.0, 0.0).astype(jnp.bfloat16)
    colhl = colhl_ref[...]
    rn_idx = lax.dot_general(maskn, colhl, dn, preferred_element_type=jnp.float32)
    ra_idx = lax.dot_general(maska, colhl, dn, preferred_element_type=jnp.float32)
    iaf = 128.0 * rn_idx[:, 0:1] + rn_idx[:, 1:2]
    ibf = 128.0 * ra_idx[:, 0:1] + ra_idx[:, 1:2]
    ia = jnp.clip(iaf, 0.0, float(_K - 1)).astype(jnp.int32)
    ib = jnp.clip(ibf, 0.0, float(_K - 1)).astype(jnp.int32)

    m = jnp.maximum(mn, ma)
    pnb = jnp.exp(sn - m).astype(jnp.bfloat16)
    pab = jnp.exp(sa - m).astype(jnp.bfloat16)
    cmn = jnp.dot(pnb, nkab_ref[...], preferred_element_type=jnp.float32)
    cma = jnp.dot(pab, akab_ref[...], preferred_element_type=jnp.float32)
    l = cmn[:, _D:] + cma[:, _D:]
    cm = (cmn[:, :_D] + cma[:, :_D]) / l

    sp = jnp.sum(q * wp_ref[...], axis=1, keepdims=True) + bp_ref[...]
    p = 1.0 / (1.0 + jnp.exp(-sp))
    su = (jnp.sum(q * wpm1_ref[...], axis=1, keepdims=True)
          + jnp.sum(cm * wpm2_ref[...], axis=1, keepdims=True) + bpm_ref[...])
    up = 1.0 / (1.0 + jnp.exp(-su))

    qn2 = jnp.sum(q * q, axis=1, keepdims=True)
    iab = lax.bitcast_convert_type(ia, jnp.float32)
    ibb = lax.bitcast_convert_type(ib, jnp.float32)
    zcol = jnp.zeros((_N, 1), jnp.float32)
    st_ref[0] = jnp.concatenate([p, up, mn, ma, qn2, iab, ibb, zcol], axis=1)


def _tc_call(x, nk, ak, nkab, akab, colhl, wc, bc, wp, bp, wpm1, wpm2, bpm):
    const2 = lambda b: (0, 0)
    const3 = lambda b: (0, 0, 0)
    return pl.pallas_call(
        _tc_body,
        grid=(_BS,),
        in_specs=[
            pl.BlockSpec((1, _N, _F), lambda b: (b, 0, 0)),
            pl.BlockSpec((_K, _D), const2),
            pl.BlockSpec((_K, _D), const2),
            pl.BlockSpec((_K, _D + 1), const2),
            pl.BlockSpec((_K, _D + 1), const2),
            pl.BlockSpec((2, _K), const2),
            pl.BlockSpec((3, _F, _D), const3),
            pl.BlockSpec((1, _D), const2),
            pl.BlockSpec((1, _D), const2),
            pl.BlockSpec((1, 1), const2),
            pl.BlockSpec((1, _D), const2),
            pl.BlockSpec((1, _D), const2),
            pl.BlockSpec((1, 1), const2),
        ],
        out_specs=[
            pl.BlockSpec((1, _N, _D), lambda b: (b, 0, 0)),
            pl.BlockSpec((1, _N, 8), lambda b: (b, 0, 0)),
        ],
        out_shape=[
            jax.ShapeDtypeStruct((_BS, _N, _D), jnp.float32),
            jax.ShapeDtypeStruct((_BS, _N, 8), jnp.float32),
        ],
        compiler_params=pltpu.CompilerParams(
            dimension_semantics=("parallel",),
            vmem_limit_bytes=100 * 1024 * 1024,
        ),
    )(x, nk, ak, nkab, akab, colhl, wc, bc, wp, bp, wpm1, wpm2, bpm)


_BPWP = 208


def _sc_loss_body(st_hbm, nn_hbm, na_hbm, outn_hbm, outa_hbm,
                  st_v, nn_v, na_v, on_v, oa_v, sem):
    wid = lax.axis_index("s") * 2 + lax.axis_index("c")
    base = wid * _BPW
    head = pl.ds(0, _BPW)
    descs = [
        pltpu.async_copy(st_hbm.at[pl.ds(base * 8, _BPW * 8)],
                         st_v.at[pl.ds(0, _BPW * 8)], sem),
        pltpu.async_copy(nn_hbm, nn_v, sem),
        pltpu.async_copy(na_hbm, na_v, sem),
    ]
    for d in descs:
        d.wait()
    lane8 = lax.broadcasted_iota(jnp.int32, (16,), 0) * 8
    for c in range(_BPWP // 16):
        sl = pl.ds(c * 16, 16)
        fb = c * 128
        mnv = plsc.load_gather(st_v, [lane8 + (fb + 2)])
        mav = plsc.load_gather(st_v, [lane8 + (fb + 3)])
        qnv = plsc.load_gather(st_v, [lane8 + (fb + 4)])
        iav = plsc.bitcast(plsc.load_gather(st_v, [lane8 + (fb + 5)]),
                           jnp.int32) & (_K - 1)
        ibv = plsc.bitcast(plsc.load_gather(st_v, [lane8 + (fb + 6)]),
                           jnp.int32) & (_K - 1)
        nsn = plsc.load_gather(nn_v, [iav])
        nsa = plsc.load_gather(na_v, [ibv])
        on_v[sl] = (qnv - 2.0 * mnv + nsn) * (1.0 / _D)
        oa_v[sl] = (qnv - 2.0 * mav + nsa) * (1.0 / _D)
    outs = [
        pltpu.async_copy(on_v.at[head], outn_hbm.at[pl.ds(base, _BPW)], sem),
        pltpu.async_copy(oa_v.at[head], outa_hbm.at[pl.ds(base, _BPW)], sem),
    ]
    for d in outs:
        d.wait()


@functools.cache
def _sc_loss_kernel():
    mesh = plsc.VectorSubcoreMesh(core_axis_name="c", subcore_axis_name="s")
    return pl.kernel(
        _sc_loss_body,
        out_type=(jax.ShapeDtypeStruct((_B,), jnp.float32),
                  jax.ShapeDtypeStruct((_B,), jnp.float32)),
        mesh=mesh,
        scratch_types=[
            pltpu.VMEM((_BPWP * 8,), jnp.float32),
            pltpu.VMEM((_K,), jnp.float32),
            pltpu.VMEM((_K,), jnp.float32),
            pltpu.VMEM((_BPWP,), jnp.float32),
            pltpu.VMEM((_BPWP,), jnp.float32),
            pltpu.SemaphoreType.DMA,
        ],
        compiler_params=pltpu.CompilerParams(needs_layout_passes=False),
    )


def kernel(ref_nor, ref_abn, nor_keys, abn_keys, W_conv, b_conv, W_p, b_p,
           W_pm, b_pm, epoch, isTrain):
    wc = jnp.transpose(W_conv, (2, 1, 0))
    ones_col = jnp.ones((_K, 1), jnp.bfloat16)
    nkab = jnp.concatenate([nor_keys.astype(jnp.bfloat16), ones_col], axis=1)
    akab = jnp.concatenate([abn_keys.astype(jnp.bfloat16), ones_col], axis=1)
    coli = jnp.arange(_K, dtype=jnp.int32)
    colhl = jnp.stack([(coli >> 7).astype(jnp.bfloat16),
                       (coli & 127).astype(jnp.bfloat16)], axis=0)
    bc = b_conv.reshape(1, _D)
    wp = W_p.reshape(1, _D)
    bp = b_p.reshape(1, 1)
    wpm1 = W_pm[:, :_D].reshape(1, _D)
    wpm2 = W_pm[:, _D:].reshape(1, _D)
    bpm = b_pm.reshape(1, 1)

    rn, st8 = _tc_call(
        ref_nor, nor_keys, abn_keys, nkab, akab,
        colhl, wc, bc, wp, bp, wpm1, wpm2, bpm)

    normn = jnp.sum(nor_keys * nor_keys, axis=1)
    norma = jnp.sum(abn_keys * abn_keys, axis=1)
    ln, la = _sc_loss_kernel()(st8.reshape(_B * 8), normn, norma)

    return (st8[:, :, 0], st8[:, :, 1], ln, la, rn)

# --- scband reference (transcript-rebuilt; emitter-appended) ---
"""Pipeline reference for scband-memory-48017734369831 (READ-ONLY COPY).

The authoritative reference and input builder live on the scoring server;
editing this copy changes nothing except your own understanding.
"""

import jax, jax.numpy as jnp
import numpy as np


def setup_inputs(seed: int = 0) -> dict:
    key = jax.random.key(seed)
    ks = jax.random.split(key, 8)
    inp = {
        "ref_nor": jax.random.normal(ks[0], (32, 200, 512), dtype=jnp.float32),
        "ref_abn": jax.random.normal(ks[1], (32, 200, 512), dtype=jnp.float32),
        "nor_keys": jax.random.normal(ks[2], (2048, 128), dtype=jnp.float32),
        "abn_keys": jax.random.normal(ks[3], (2048, 128), dtype=jnp.float32),
        "W_conv": jax.random.normal(ks[4], (128, 512, 3), dtype=jnp.float32) * 0.02,
        "b_conv": jnp.zeros((128,), dtype=jnp.float32),
        "W_p": jax.random.normal(ks[5], (1, 128), dtype=jnp.float32) * 0.05,
        "b_p": jnp.zeros((1,), dtype=jnp.float32),
        "W_pm": jax.random.normal(ks[6], (1, 256), dtype=jnp.float32) * 0.05,
        "b_pm": jnp.zeros((1,), dtype=jnp.float32),
        "epoch": 10,
        "isTrain": 0,
    }
    return inp


def _embedding(x, W_conv, b_conv):
    # x: [B, N, feat] -> permute -> Conv1d(k=3, pad=1) -> ReLU -> permute back
    xt = jnp.transpose(x, (0, 2, 1))
    h = jax.lax.conv_general_dilated(xt, W_conv, window_strides=(1,), padding=((1, 1),), dimension_numbers=("NCH", "OIH", "NCH"))
    h = h + b_conv[None, :, None]
    h = jax.nn.relu(h)
    return jnp.transpose(h, (0, 2, 1))


def _get_score(feat, keys):
    bs, n, d = feat.shape
    score = jnp.matmul(feat, keys.T).reshape(bs * n, keys.shape[0])
    score_query = jax.nn.softmax(score, axis=0)
    score_keys = jax.nn.softmax(score, axis=1)
    return score_query, score_keys


def _read(feat, keys):
    bs, n, d = feat.shape
    sq, sk = _get_score(feat, keys)
    feat_reshape = feat.reshape(bs * n, d)
    concat_memory = jnp.matmul(jax.lax.stop_gradient(sk), keys)
    updated_query = jnp.concatenate([feat_reshape, concat_memory], axis=1).reshape(bs, n, 2 * d)
    return updated_query, sq, sk


def _gather_loss_eval(query, keys):
    bs, n, d = query.shape
    sq, sm = _get_score(query, keys)
    query_reshape = query.reshape(bs * n, d)
    _, gi = jax.lax.top_k(sm, 1)
    pos = jax.lax.stop_gradient(jnp.take(keys, gi[:, 0], axis=0))
    return jnp.mean((query_reshape - pos) ** 2, axis=1)


def reference(ref_nor, ref_abn, nor_keys, abn_keys, W_conv, b_conv, W_p, b_p, W_pm, b_pm, epoch, isTrain):
    # isTrain=False (eval) path: the train path depends on the undefined Sample_generator.
    # Dropout is identity in eval mode.
    bs = ref_nor.shape[0]
    rn = _embedding(ref_nor, W_conv, b_conv)
    ra = _embedding(ref_abn, W_conv, b_conv)
    ref = jnp.concatenate([rn, ra], axis=0)
    p_score = jax.nn.sigmoid(jnp.matmul(ref, W_p.T) + b_p)[:, :, 0]
    p_score_nor = p_score[:bs]
    keys = jnp.concatenate([nor_keys, abn_keys], axis=0)
    updated_feat, _, _ = _read(rn, keys)
    updated_p_score = jax.nn.sigmoid(jnp.matmul(updated_feat, W_pm.T) + b_pm)[:, :, 0]
    nor_compactness_loss = _gather_loss_eval(rn, nor_keys)
    abn_compactness_loss = _gather_loss_eval(rn, abn_keys)
    return (p_score_nor, updated_p_score, nor_compactness_loss, abn_compactness_loss, rn)

if __name__ == "__main__":
    import jax
    _d = setup_inputs()
    print(jax.jit(kernel)(*tuple(_d.values())))

</pallas_src>

<mosaic_0001>
#map = affine_map<(d0, d1) -> (0)>
module attributes {stable_mosaic.version = 14 : i64} {
  func.func @_sc_loss_body(%arg0: i32, %arg1: i32, %arg2: memref<51200xf32, #tpu.memory_space<hbm>>, %arg3: memref<2048xf32, #tpu.memory_space<hbm>>, %arg4: memref<2048xf32, #tpu.memory_space<hbm>>, %arg5: memref<6400xf32, #tpu.memory_space<hbm>>, %arg6: memref<6400xf32, #tpu.memory_space<hbm>>, %arg7: memref<1664xf32, #tpu.memory_space<vmem>>, %arg8: memref<2048xf32, #tpu.memory_space<vmem>>, %arg9: memref<2048xf32, #tpu.memory_space<vmem>>, %arg10: memref<208xf32, #tpu.memory_space<vmem>>, %arg11: memref<208xf32, #tpu.memory_space<vmem>>, %arg12: memref<!tpu.dma_semaphore, #tpu.memory_space<semaphore_mem>>) attributes {dimension_semantics = [#tpu.dimension_semantics<core_parallel>, #tpu.dimension_semantics<subcore_parallel>], iteration_bounds = array<i64: 2, 16>, scalar_prefetch = 0 : i64, scratch_operands = 6 : i64, tpu.core_type = #tpu.core_type<sc_vector_subcore>, window_params = [{transform_indices = #map}, {transform_indices = #map}, {transform_indices = #map}, {transform_indices = #map}, {transform_indices = #map}]} {
    %mul3A = arith.constant 2 : i32
    %mul3A_0 = arith.muli %arg1, %mul3A : i32
    %add3A = arith.addi %mul3A_0, %arg0 : i32
    %mul3A_1 = arith.constant 200 : i32
    %mul3A_2 = arith.muli %add3A, %mul3A_1 : i32
    %mul3A_3 = arith.constant 8 : i32
    %mul3A_4 = arith.muli %mul3A_2, %mul3A_3 : i32
    %dma_start3A = arith.constant 0 : i32
    %dma_start3A_5 = tpu.memref_slice %arg7[%dma_start3A] : memref<1664xf32, #tpu.memory_space<vmem>> -> memref<1600xf32, #tpu.memory_space<vmem>>
    %dma_start3A_6 = tpu.memref_slice %arg2[%mul3A_4] : memref<51200xf32, #tpu.memory_space<hbm>> -> memref<1600xf32, #tpu.memory_space<hbm>>
    %dma_start3A_7 = arith.constant 0 : i32
    %dma_start3A_8 = tpu.memref_slice %arg7[%dma_start3A_7] : memref<1664xf32, #tpu.memory_space<vmem>> -> memref<1600xf32, #tpu.memory_space<vmem>>
    %dma_start3A_9 = tpu.memref_slice %arg2[%mul3A_4] : memref<51200xf32, #tpu.memory_space<hbm>> -> memref<1600xf32, #tpu.memory_space<hbm>>
    tpu.enqueue_dma source(%dma_start3A_9 : memref<1600xf32, #tpu.memory_space<hbm>>) target(%dma_start3A_8 : memref<1600xf32, #tpu.memory_space<vmem>>) target_semaphore(%arg12 : memref<!tpu.dma_semaphore, #tpu.memory_space<semaphore_mem>>)
    tpu.enqueue_dma source(%arg3 : memref<2048xf32, #tpu.memory_space<hbm>>) target(%arg8 : memref<2048xf32, #tpu.memory_space<vmem>>) target_semaphore(%arg12 : memref<!tpu.dma_semaphore, #tpu.memory_space<semaphore_mem>>)
    tpu.enqueue_dma source(%arg4 : memref<2048xf32, #tpu.memory_space<hbm>>) target(%arg9 : memref<2048xf32, #tpu.memory_space<vmem>>) target_semaphore(%arg12 : memref<!tpu.dma_semaphore, #tpu.memory_space<semaphore_mem>>)
    %dma_wait3A = arith.constant 0 : i32
    %dma_wait3A_10 = tpu.memref_slice %arg7[%dma_wait3A] : memref<1664xf32, #tpu.memory_space<vmem>> -> memref<1600xf32, #tpu.memory_space<vmem>>
    %dma_wait3A_11 = tpu.memref_slice %arg2[%mul3A_4] : memref<51200xf32, #tpu.memory_space<hbm>> -> memref<1600xf32, #tpu.memory_space<hbm>>
    %dma_wait3A_12 = arith.constant 0 : i32
    %dma_wait3A_13 = tpu.memref_slice %arg7[%dma_wait3A_12] : memref<1664xf32, #tpu.memory_space<vmem>> -> memref<1600xf32, #tpu.memory_space<vmem>>
    %dma_wait3A_14 = tpu.memref_slice %arg2[%mul3A_4] : memref<51200xf32, #tpu.memory_space<hbm>> -> memref<1600xf32, #tpu.memory_space<hbm>>
    tpu.wait_dma2 semaphore(%arg12 : memref<!tpu.dma_semaphore, #tpu.memory_space<semaphore_mem>>) src(%dma_wait3A_14 : memref<1600xf32, #tpu.memory_space<hbm>>) dst(%dma_wait3A_13 : memref<1600xf32, #tpu.memory_space<vmem>>)
    tpu.wait_dma2 semaphore(%arg12 : memref<!tpu.dma_semaphore, #tpu.memory_space<semaphore_mem>>) src(%arg3 : memref<2048xf32, #tpu.memory_space<hbm>>) dst(%arg8 : memref<2048xf32, #tpu.memory_space<vmem>>)
    tpu.wait_dma2 semaphore(%arg12 : memref<!tpu.dma_semaphore, #tpu.memory_space<semaphore_mem>>) src(%arg4 : memref<2048xf32, #tpu.memory_space<hbm>>) dst(%arg9 : memref<2048xf32, #tpu.memory_space<vmem>>)
    %iota3A = tpu.iota {dimensions = array<i32: 0>} : vector<16xi32>
    %mul3A_15 = arith.constant 8 : i32
    %mul3A_16 = vector.broadcast %mul3A_15 : i32 to vector<16xi32>
    %mul3A_17 = arith.muli %iota3A, %mul3A_16 : vector<16xi32>
    %add3A_18 = arith.constant 2 : i32
    %add3A_19 = vector.broadcast %add3A_18 : i32 to vector<16xi32>
    %add3A_20 = arith.addi %mul3A_17, %add3A_19 : vector<16xi32>
    %gather3A = tpu.vector_load_idx %arg7[%add3A_20] : memref<1664xf32, #tpu.memory_space<vmem>>[vector<16xi32>], vector<16xf32>,
    %add3A_21 = arith.constant 3 : i32
    %add3A_22 = vector.broadcast %add3A_21 : i32 to vector<16xi32>
    %add3A_23 = arith.addi %mul3A_17, %add3A_22 : vector<16xi32>
    %gather3A_24 = tpu.vector_load_idx %arg7[%add3A_23] : memref<1664xf32, #tpu.memory_space<vmem>>[vector<16xi32>], vector<16xf32>,
    %add3A_25 = arith.constant 4 : i32
    %add3A_26 = vector.broadcast %add3A_25 : i32 to vector<16xi32>
    %add3A_27 = arith.addi %mul3A_17, %add3A_26 : vector<16xi32>
    %gather3A_28 = tpu.vector_load_idx %arg7[%add3A_27] : memref<1664xf32, #tpu.memory_space<vmem>>[vector<16xi32>], vector<16xf32>,
    %add3A_29 = arith.constant 5 : i32
    %add3A_30 = vector.broadcast %add3A_29 : i32 to vector<16xi32>
    %add3A_31 = arith.addi %mul3A_17, %add3A_30 : vector<16xi32>
    %gather3A_32 = tpu.vector_load_idx %arg7[%add3A_31] : memref<1664xf32, #tpu.memory_space<vmem>>[vector<16xi32>], vector<16xf32>,
    %bitcast3A = vector.bitcast %gather3A_32 : vector<16xf32> to vector<16xi32>
    %and3A = arith.constant 2047 : i32
    %and3A_33 = vector.broadcast %and3A : i32 to vector<16xi32>
    %and3A_34 = arith.andi %bitcast3A, %and3A_33 : vector<16xi32>
    %add3A_35 = arith.constant 6 : i32
    %add3A_36 = vector.broadcast %add3A_35 : i32 to vector<16xi32>
    %add3A_37 = arith.addi %mul3A_17, %add3A_36 : vector<16xi32>
    %gather3A_38 = tpu.vector_load_idx %arg7[%add3A_37] : memref<1664xf32, #tpu.memory_space<vmem>>[vector<16xi32>], vector<16xf32>,
    %bitcast3A_39 = vector.bitcast %gather3A_38 : vector<16xf32> to vector<16xi32>
    %and3A_40 = arith.constant 2047 : i32
    %and3A_41 = vector.broadcast %and3A_40 : i32 to vector<16xi32>
    %and3A_42 = arith.andi %bitcast3A_39, %and3A_41 : vector<16xi32>
    %gather3A_43 = tpu.vector_load_idx %arg8[%and3A_34] : memref<2048xf32, #tpu.memory_space<vmem>>[vector<16xi32>], vector<16xf32>,
    %gather3A_44 = tpu.vector_load_idx %arg9[%and3A_42] : memref<2048xf32, #tpu.memory_space<vmem>>[vector<16xi32>], vector<16xf32>,
    %mul3A_45 = arith.constant 2.000000e+00 : f32
    %mul3A_46 = vector.broadcast %mul3A_45 : f32 to vector<16xf32>
    %mul3A_47 = arith.mulf %mul3A_46, %gather3A : vector<16xf32>
    %sub3A = arith.subf %gather3A_28, %mul3A_47 : vector<16xf32>
    %add3A_48 = arith.addf %sub3A, %gather3A_43 : vector<16xf32>
    %mul3A_49 = arith.constant 7.812500e-03 : f32
    %mul3A_50 = vector.broadcast %mul3A_49 : f32 to vector<16xf32>
    %mul3A_51 = arith.mulf %add3A_48, %mul3A_50 : vector<16xf32>
    %swap3A = arith.constant 0 : index
    %swap3A_52 = tpu.vector_load %arg10[%swap3A] {strides = array<i32>} : memref<208xf32, #tpu.memory_space<vmem>>, vector<16xf32>,
    tpu.vector_store %arg10[%swap3A], %mul3A_51 {strides = array<i32>} : memref<208xf32, #tpu.memory_space<vmem>>, vector<16xf32>,
    %mul3A_53 = arith.constant 2.000000e+00 : f32
    %mul3A_54 = vector.broadcast %mul3A_53 : f32 to vector<16xf32>
    %mul3A_55 = arith.mulf %mul3A_54, %gather3A_24 : vector<16xf32>
    %sub3A_56 = arith.subf %gather3A_28, %mul3A_55 : vector<16xf32>
    %add3A_57 = arith.addf %sub3A_56, %gather3A_44 : vector<16xf32>
    %mul3A_58 = arith.constant 7.812500e-03 : f32
    %mul3A_59 = vector.broadcast %mul3A_58 : f32 to vector<16xf32>
    %mul3A_60 = arith.mulf %add3A_57, %mul3A_59 : vector<16xf32>
    %swap3A_61 = arith.constant 0 : index
    %swap3A_62 = tpu.vector_load %arg11[%swap3A_61] {strides = array<i32>} : memref<208xf32, #tpu.memory_space<vmem>>, vector<16xf32>,
    tpu.vector_store %arg11[%swap3A_61], %mul3A_60 {strides = array<i32>} : memref<208xf32, #tpu.memory_space<vmem>>, vector<16xf32>,
    %add3A_63 = arith.constant 130 : i32
    %add3A_64 = vector.broadcast %add3A_63 : i32 to vector<16xi32>
    %add3A_65 = arith.addi %mul3A_17, %add3A_64 : vector<16xi32>
    %gather3A_66 = tpu.vector_load_idx %arg7[%add3A_65] : memref<1664xf32, #tpu.memory_space<vmem>>[vector<16xi32>], vector<16xf32>,
    %add3A_67 = arith.constant 131 : i32
    %add3A_68 = vector.broadcast %add3A_67 : i32 to vector<16xi32>
    %add3A_69 = arith.addi %mul3A_17, %add3A_68 : vector<16xi32>
    %gather3A_70 = tpu.vector_load_idx %arg7[%add3A_69] : memref<1664xf32, #tpu.memory_space<vmem>>[vector<16xi32>], vector<16xf32>,
    %add3A_71 = arith.constant 132 : i32
    %add3A_72 = vector.broadcast %add3A_71 : i32 to vector<16xi32>
    %add3A_73 = arith.addi %mul3A_17, %add3A_72 : vector<16xi32>
    %gather3A_74 = tpu.vector_load_idx %arg7[%add3A_73] : memref<1664xf32, #tpu.memory_space<vmem>>[vector<16xi32>], vector<16xf32>,
    %add3A_75 = arith.constant 133 : i32
    %add3A_76 = vector.broadcast %add3A_75 : i32 to vector<16xi32>
    %add3A_77 = arith.addi %mul3A_17, %add3A_76 : vector<16xi32>
    %gather3A_78 = tpu.vector_load_idx %arg7[%add3A_77] : memref<1664xf32, #tpu.memory_space<vmem>>[vector<16xi32>], vector<16xf32>,
    %bitcast3A_79 = vector.bitcast %gather3A_78 : vector<16xf32> to vector<16xi32>
    %and3A_80 = arith.constant 2047 : i32
    %and3A_81 = vector.broadcast %and3A_80 : i32 to vector<16xi32>
    %and3A_82 = arith.andi %bitcast3A_79, %and3A_81 : vector<16xi32>
    %add3A_83 = arith.constant 134 : i32
    %add3A_84 = vector.broadcast %add3A_83 : i32 to vector<16xi32>
    %add3A_85 = arith.addi %mul3A_17, %add3A_84 : vector<16xi32>
    %gather3A_86 = tpu.vector_load_idx %arg7[%add3A_85] : memref<1664xf32, #tpu.memory_space<vmem>>[vector<16xi32>], vector<16xf32>,
    %bitcast3A_87 = vector.bitcast %gather3A_86 : vector<16xf32> to vector<16xi32>
    %and3A_88 = arith.constant 2047 : i32
    %and3A_89 = vector.broadcast %and3A_88 : i32 to vector<16xi32>
    %and3A_90 = arith.andi %bitcast3A_87, %and3A_89 : vector<16xi32>
    %gather3A_91 = tpu.vector_load_idx %arg8[%and3A_82] : memref<2048xf32, #tpu.memory_space<vmem>>[vector<16xi32>], vector<16xf32>,
    %gather3A_92 = tpu.vector_load_idx %arg9[%and3A_90] : memref<2048xf32, #tpu.memory_space<vmem>>[vector<16xi32>], vector<16xf32>,
    %mul3A_93 = arith.constant 2.000000e+00 : f32
    %mul3A_94 = vector.broadcast %mul3A_93 : f32 to vector<16xf32>
    %mul3A_95 = arith.mulf %mul3A_94, %gather3A_66 : vector<16xf32>
    %sub3A_96 = arith.subf %gather3A_74, %mul3A_95 : vector<16xf32>
    %add3A_97 = arith.addf %sub3A_96, %gather3A_91 : vector<16xf32>
    %mul3A_98 = arith.constant 7.812500e-03 : f32
    %mul3A_99 = vector.broadcast %mul3A_98 : f32 to vector<16xf32>
    %mul3A_100 = arith.mulf %add3A_97, %mul3A_99 : vector<16xf32>
    %swap3A_101 = arith.constant 16 : index
    %swap3A_102 = tpu.vector_load %arg10[%swap3A_101] {strides = array<i32>} : memref<208xf32, #tpu.memory_space<vmem>>, vector<16xf32>,
    tpu.vector_store %arg10[%swap3A_101], %mul3A_100 {strides = array<i32>} : memref<208xf32, #tpu.memory_space<vmem>>, vector<16xf32>,
    %mul3A_103 = arith.constant 2.000000e+00 : f32
    %mul3A_104 = vector.broadcast %mul3A_103 : f32 to vector<16xf32>
    %mul3A_105 = arith.mulf %mul3A_104, %gather3A_70 : vector<16xf32>
    %sub3A_106 = arith.subf %gather3A_74, %mul3A_105 : vector<16xf32>
    %add3A_107 = arith.addf %sub3A_106, %gather3A_92 : vector<16xf32>
    %mul3A_108 = arith.constant 7.812500e-03 : f32
    %mul3A_109 = vector.broadcast %mul3A_108 : f32 to vector<16xf32>
    %mul3A_110 = arith.mulf %add3A_107, %mul3A_109 : vector<16xf32>
    %swap3A_111 = arith.constant 16 : index
    %swap3A_112 = tpu.vector_load %arg11[%swap3A_111] {strides = array<i32>} : memref<208xf32, #tpu.memory_space<vmem>>, vector<16xf32>,
    tpu.vector_store %arg11[%swap3A_111], %mul3A_110 {strides = array<i32>} : memref<208xf32, #tpu.memory_space<vmem>>, vector<16xf32>,
    %add3A_113 = arith.constant 258 : i32
    %add3A_114 = vector.broadcast %add3A_113 : i32 to vector<16xi32>
    %add3A_115 = arith.addi %mul3A_17, %add3A_114 : vector<16xi32>
    %gather3A_116 = tpu.vector_load_idx %arg7[%add3A_115] : memref<1664xf32, #tpu.memory_space<vmem>>[vector<16xi32>], vector<16xf32>,
    %add3A_117 = arith.constant 259 : i32
    %add3A_118 = vector.broadcast %add3A_117 : i32 to vector<16xi32>
    %add3A_119 = arith.addi %mul3A_17, %add3A_118 : vector<16xi32>
    %gather3A_120 = tpu.vector_load_idx %arg7[%add3A_119] : memref<1664xf32, #tpu.memory_space<vmem>>[vector<16xi32>], vector<16xf32>,
    %add3A_121 = arith.constant 260 : i32
    %add3A_122 = vector.broadcast %add3A_121 : i32 to vector<16xi32>
    %add3A_123 = arith.addi %mul3A_17, %add3A_122 : vector<16xi32>
    %gather3A_124 = tpu.vector_load_idx %arg7[%add3A_123] : memref<1664xf32, #tpu.memory_space<vmem>>[vector<16xi32>], vector<16xf32>,
    %add3A_125 = arith.constant 261 : i32
    %add3A_126 = vector.broadcast %add3A_125 : i32 to vector<16xi32>
    %add3A_127 = arith.addi %mul3A_17, %add3A_126 : vector<16xi32>
    %gather3A_128 = tpu.vector_load_idx %arg7[%add3A_127] : memref<1664xf32, #tpu.memory_space<vmem>>[vector<16xi32>], vector<16xf32>,
    %bitcast3A_129 = vector.bitcast %gather3A_128 : vector<16xf32> to vector<16xi32>
    %and3A_130 = arith.constant 2047 : i32
    %and3A_131 = vector.broadcast %and3A_130 : i32 to vector<16xi32>
    %and3A_132 = arith.andi %bitcast3A_129, %and3A_131 : vector<16xi32>
    %add3A_133 = arith.constant 262 : i32
    %add3A_134 = vector.broadcast %add3A_133 : i32 to vector<16xi32>
    %add3A_135 = arith.addi %mul3A_17, %add3A_134 : vector<16xi32>
    %gather3A_136 = tpu.vector_load_idx %arg7[%add3A_135] : memref<1664xf32, #tpu.memory_space<vmem>>[vector<16xi32>], vector<16xf32>,
    %bitcast3A_137 = vector.bitcast %gather3A_136 : vector<16xf32> to vector<16xi32>
    %and3A_138 = arith.constant 2047 : i32
    %and3A_139 = vector.broadcast %and3A_138 : i32 to vector<16xi32>
    %and3A_140 = arith.andi %bitcast3A_137, %and3A_139 : vector<16xi32>
    %gather3A_141 = tpu.vector_load_idx %arg8[%and3A_132] : memref<2048xf32, #tpu.memory_space<vmem>>[vector<16xi32>], vector<16xf32>,
    %gather3A_142 = tpu.vector_load_idx %arg9[%and3A_140] : memref<2048xf32, #tpu.memory_space<vmem>>[vector<16xi32>], vector<16xf32>,
    %mul3A_143 = arith.constant 2.000000e+00 : f32
    %mul3A_144 = vector.broadcast %mul3A_143 : f32 to vector<16xf32>
    %mul3A_145 = arith.mulf %mul3A_144, %gather3A_116 : vector<16xf32>
    %sub3A_146 = arith.subf %gather3A_124, %mul3A_145 : vector<16xf32>
    %add3A_147 = arith.addf %sub3A_146, %gather3A_141 : vector<16xf32>
    %mul3A_148 = arith.constant 7.812500e-03 : f32
    %mul3A_149 = vector.broadcast %mul3A_148 : f32 to vector<16xf32>
    %mul3A_150 = arith.mulf %add3A_147, %mul3A_149 : vector<16xf32>
    %swap3A_151 = arith.constant 32 : index
    %swap3A_152 = tpu.vector_load %arg10[%swap3A_151] {strides = array<i32>} : memref<208xf32, #tpu.memory_space<vmem>>, vector<16xf32>,
    tpu.vector_store %arg10[%swap3A_151], %mul3A_150 {strides = array<i32>} : memref<208xf32, #tpu.memory_space<vmem>>, vector<16xf32>,
    %mul3A_153 = arith.constant 2.000000e+00 : f32
    %mul3A_154 = vector.broadcast %mul3A_153 : f32 to vector<16xf32>
    %mul3A_155 = arith.mulf %mul3A_154, %gather3A_120 : vector<16xf32>
    %sub3A_156 = arith.subf %gather3A_124, %mul3A_155 : vector<16xf32>
    %add3A_157 = arith.addf %sub3A_156, %gather3A_142 : vector<16xf32>
    %mul3A_158 = arith.constant 7.812500e-03 : f32
    %mul3A_159 = vector.broadcast %mul3A_158 : f32 to vector<16xf32>
    %mul3A_160 = arith.mulf %add3A_157, %mul3A_159 : vector<16xf32>
    %swap3A_161 = arith.constant 32 : index
    %swap3A_162 = tpu.vector_load %arg11[%swap3A_161] {strides = array<i32>} : memref<208xf32, #tpu.memory_space<vmem>>, vector<16xf32>,
    tpu.vector_store %arg11[%swap3A_161], %mul3A_160 {strides = array<i32>} : memref<208xf32, #tpu.memory_space<vmem>>, vector<16xf32>,
    %add3A_163 = arith.constant 386 : i32
    %add3A_164 = vector.broadcast %add3A_163 : i32 to vector<16xi32>
    %add3A_165 = arith.addi %mul3A_17, %add3A_164 : vector<16xi32>
    %gather3A_166 = tpu.vector_load_idx %arg7[%add3A_165] : memref<1664xf32, #tpu.memory_space<vmem>>[vector<16xi32>], vector<16xf32>,
    %add3A_167 = arith.constant 387 : i32
    %add3A_168 = vector.broadcast %add3A_167 : i32 to vector<16xi32>
    %add3A_169 = arith.addi %mul3A_17, %add3A_168 : vector<16xi32>
    %gather3A_170 = tpu.vector_load_idx %arg7[%add3A_169] : memref<1664xf32, #tpu.memory_space<vmem>>[vector<16xi32>], vector<16xf32>,
    %add3A_171 = arith.constant 388 : i32
    %add3A_172 = vector.broadcast %add3A_171 : i32 to vector<16xi32>
    %add3A_173 = arith.addi %mul3A_17, %add3A_172 : vector<16xi32>
    %gather3A_174 = tpu.vector_load_idx %arg7[%add3A_173] : memref<1664xf32, #tpu.memory_space<vmem>>[vector<16xi32>], vector<16xf32>,
    %add3A_175 = arith.constant 389 : i32
    %add3A_176 = vector.broadcast %add3A_175 : i32 to vector<16xi32>
    %add3A_177 = arith.addi %mul3A_17, %add3A_176 : vector<16xi32>
    %gather3A_178 = tpu.vector_load_idx %arg7[%add3A_177] : memref<1664xf32, #tpu.memory_space<vmem>>[vector<16xi32>], vector<16xf32>,
    %bitcast3A_179 = vector.bitcast %gather3A_178 : vector<16xf32> to vector<16xi32>
    %and3A_180 = arith.constant 2047 : i32
    %and3A_181 = vector.broadcast %and3A_180 : i32 to vector<16xi32>
    %and3A_182 = arith.andi %bitcast3A_179, %and3A_181 : vector<16xi32>
    %add3A_183 = arith.constant 390 : i32
    %add3A_184 = vector.broadcast %add3A_183 : i32 to vector<16xi32>
    %add3A_185 = arith.addi %mul3A_17, %add3A_184 : vector<16xi32>
    %gather3A_186 = tpu.vector_load_idx %arg7[%add3A_185] : memref<1664xf32, #tpu.memory_space<vmem>>[vector<16xi32>], vector<16xf32>,
    %bitcast3A_187 = vector.bitcast %gather3A_186 : vector<16xf32> to vector<16xi32>
    %and3A_188 = arith.constant 2047 : i32
    %and3A_189 = vector.broadcast %and3A_188 : i32 to vector<16xi32>
    %and3A_190 = arith.andi %bitcast3A_187, %and3A_189 : vector<16xi32>
    %gather3A_191 = tpu.vector_load_idx %arg8[%and3A_182] : memref<2048xf32, #tpu.memory_space<vmem>>[vector<16xi32>], vector<16xf32>,
    %gather3A_192 = tpu.vector_load_idx %arg9[%and3A_190] : memref<2048xf32, #tpu.memory_space<vmem>>[vector<16xi32>], vector<16xf32>,
    %mul3A_193 = arith.constant 2.000000e+00 : f32
    %mul3A_194 = vector.broadcast %mul3A_193 : f32 to vector<16xf32>
    %mul3A_195 = arith.mulf %mul3A_194, %gather3A_166 : vector<16xf32>
    %sub3A_196 = arith.subf %gather3A_174, %mul3A_195 : vector<16xf32>
    %add3A_197 = arith.addf %sub3A_196, %gather3A_191 : vector<16xf32>
    %mul3A_198 = arith.constant 7.812500e-03 : f32
    %mul3A_199 = vector.broadcast %mul3A_198 : f32 to vector<16xf32>
    %mul3A_200 = arith.mulf %add3A_197, %mul3A_199 : vector<16xf32>
    %swap3A_201 = arith.constant 48 : index
    %swap3A_202 = tpu.vector_load %arg10[%swap3A_201] {strides = array<i32>} : memref<208xf32, #tpu.memory_space<vmem>>, vector<16xf32>,
    tpu.vector_store %arg10[%swap3A_201], %mul3A_200 {strides = array<i32>} : memref<208xf32, #tpu.memory_space<vmem>>, vector<16xf32>,
    %mul3A_203 = arith.constant 2.000000e+00 : f32
    %mul3A_204 = vector.broadcast %mul3A_203 : f32 to vector<16xf32>
    %mul3A_205 = arith.mulf %mul3A_204, %gather3A_170 : vector<16xf32>
    %sub3A_206 = arith.subf %gather3A_174, %mul3A_205 : vector<16xf32>
    %add3A_207 = arith.addf %sub3A_206, %gather3A_192 : vector<16xf32>
    %mul3A_208 = arith.constant 7.812500e-03 : f32
    %mul3A_209 = vector.broadcast %mul3A_208 : f32 to vector<16xf32>
    %mul3A_210 = arith.mulf %add3A_207, %mul3A_209 : vector<16xf32>
    %swap3A_211 = arith.constant 48 : index
    %swap3A_212 = tpu.vector_load %arg11[%swap3A_211] {strides = array<i32>} : memref<208xf32, #tpu.memory_space<vmem>>, vector<16xf32>,
    tpu.vector_store %arg11[%swap3A_211], %mul3A_210 {strides = array<i32>} : memref<208xf32, #tpu.memory_space<vmem>>, vector<16xf32>,
    %add3A_213 = arith.constant 514 : i32
    %add3A_214 = vector.broadcast %add3A_213 : i32 to vector<16xi32>
    %add3A_215 = arith.addi %mul3A_17, %add3A_214 : vector<16xi32>
    %gather3A_216 = tpu.vector_load_idx %arg7[%add3A_215] : memref<1664xf32, #tpu.memory_space<vmem>>[vector<16xi32>], vector<16xf32>,
    %add3A_217 = arith.constant 515 : i32
    %add3A_218 = vector.broadcast %add3A_217 : i32 to vector<16xi32>
    %add3A_219 = arith.addi %mul3A_17, %add3A_218 : vector<16xi32>
    %gather3A_220 = tpu.vector_load_idx %arg7[%add3A_219] : memref<1664xf32, #tpu.memory_space<vmem>>[vector<16xi32>], vector<16xf32>,
    %add3A_221 = arith.constant 516 : i32
    %add3A_222 = vector.broadcast %add3A_221 : i32 to vector<16xi32>
    %add3A_223 = arith.addi %mul3A_17, %add3A_222 : vector<16xi32>
    %gather3A_224 = tpu.vector_load_idx %arg7[%add3A_223] : memref<1664xf32, #tpu.memory_space<vmem>>[vector<16xi32>], vector<16xf32>,
    %add3A_225 = arith.constant 517 : i32
    %add3A_226 = vector.broadcast %add3A_225 : i32 to vector<16xi32>
    %add3A_227 = arith.addi %mul3A_17, %add3A_226 : vector<16xi32>
    %gather3A_228 = tpu.vector_load_idx %arg7[%add3A_227] : memref<1664xf32, #tpu.memory_space<vmem>>[vector<16xi32>], vector<16xf32>,
    %bitcast3A_229 = vector.bitcast %gather3A_228 : vector<16xf32> to vector<16xi32>
    %and3A_230 = arith.constant 2047 : i32
    %and3A_231 = vector.broadcast %and3A_230 : i32 to vector<16xi32>
    %and3A_232 = arith.andi %bitcast3A_229, %and3A_231 : vector<16xi32>
    %add3A_233 = arith.constant 518 : i32
    %add3A_234 = vector.broadcast %add3A_233 : i32 to vector<16xi32>
    %add3A_235 = arith.addi %mul3A_17, %add3A_234 : vector<16xi32>
    %gather3A_236 = tpu.vector_load_idx %arg7[%add3A_235] : memref<1664xf32, #tpu.memory_space<vmem>>[vector<16xi32>], vector<16xf32>,
    %bitcast3A_237 = vector.bitcast %gather3A_236 : vector<16xf32> to vector<16xi32>
    %and3A_238 = arith.constant 2047 : i32
    %and3A_239 = vector.broadcast %and3A_238 : i32 to vector<16xi32>
    %and3A_240 = arith.andi %bitcast3A_237, %and3A_239 : vector<16xi32>
    %gather3A_241 = tpu.vector_load_idx %arg8[%and3A_232] : memref<2048xf32, #tpu.memory_space<vmem>>[vector<16xi32>], vector<16xf32>,
    %gather3A_242 = tpu.vector_load_idx %arg9[%and3A_240] : memref<2048xf32, #tpu.memory_space<vmem>>[vector<16xi32>], vector<16xf32>,
    %mul3A_243 = arith.constant 2.000000e+00 : f32
    %mul3A_244 = vector.broadcast %mul3A_243 : f32 to vector<16xf32>
    %mul3A_245 = arith.mulf %mul3A_244, %gather3A_216 : vector<16xf32>
    %sub3A_246 = arith.subf %gather3A_224, %mul3A_245 : vector<16xf32>
    %add3A_247 = arith.addf %sub3A_246, %gather3A_241 : vector<16xf32>
    %mul3A_248 = arith.constant 7.812500e-03 : f32
    %mul3A_249 = vector.broadcast %mul3A_248 : f32 to vector<16xf32>
    %mul3A_250 = arith.mulf %add3A_247, %mul3A_249 : vector<16xf32>
    %swap3A_251 = arith.constant 64 : index
    %swap3A_252 = tpu.vector_load %arg10[%swap3A_251] {strides = array<i32>} : memref<208xf32, #tpu.memory_space<vmem>>, vector<16xf32>,
    tpu.vector_store %arg10[%swap3A_251], %mul3A_250 {strides = array<i32>} : memref<208xf32, #tpu.memory_space<vmem>>, vector<16xf32>,
    %mul3A_253 = arith.constant 2.000000e+00 : f32
    %mul3A_254 = vector.broadcast %mul3A_253 : f32 to vector<16xf32>
    %mul3A_255 = arith.mulf %mul3A_254, %gather3A_220 : vector<16xf32>
    %sub3A_256 = arith.subf %gather3A_224, %mul3A_255 : vector<16xf32>
    %add3A_257 = arith.addf %sub3A_256, %gather3A_242 : vector<16xf32>
    %mul3A_258 = arith.constant 7.812500e-03 : f32
    %mul3A_259 = vector.broadcast %mul3A_258 : f32 to vector<16xf32>
    %mul3A_260 = arith.mulf %add3A_257, %mul3A_259 : vector<16xf32>
    %swap3A_261 = arith.constant 64 : index
    %swap3A_262 = tpu.vector_load %arg11[%swap3A_261] {strides = array<i32>} : memref<208xf32, #tpu.memory_space<vmem>>, vector<16xf32>,
    tpu.vector_store %arg11[%swap3A_261], %mul3A_260 {strides = array<i32>} : memref<208xf32, #tpu.memory_space<vmem>>, vector<16xf32>,
    %add3A_263 = arith.constant 642 : i32
    %add3A_264 = vector.broadcast %add3A_263 : i32 to vector<16xi32>
    %add3A_265 = arith.addi %mul3A_17, %add3A_264 : vector<16xi32>
    %gather3A_266 = tpu.vector_load_idx %arg7[%add3A_265] : memref<1664xf32, #tpu.memory_space<vmem>>[vector<16xi32>], vector<16xf32>,
    %add3A_267 = arith.constant 643 : i32
    %add3A_268 = vector.broadcast %add3A_267 : i32 to vector<16xi32>
    %add3A_269 = arith.addi %mul3A_17, %add3A_268 : vector<16xi32>
    %gather3A_270 = tpu.vector_load_idx %arg7[%add3A_269] : memref<1664xf32, #tpu.memory_space<vmem>>[vector<16xi32>], vector<16xf32>,
    %add3A_271 = arith.constant 644 : i32
    %add3A_272 = vector.broadcast %add3A_271 : i32 to vector<16xi32>
    %add3A_273 = arith.addi %mul3A_17, %add3A_272 : vector<16xi32>
    %gather3A_274 = tpu.vector_load_idx %arg7[%add3A_273] : memref<1664xf32, #tpu.memory_space<vmem>>[vector<16xi32>], vector<16xf32>,
    %add3A_275 = arith.constant 645 : i32
    %add3A_276 = vector.broadcast %add3A_275 : i32 to vector<16xi32>
    %add3A_277 = arith.addi %mul3A_17, %add3A_276 : vector<16xi32>
    %gather3A_278 = tpu.vector_load_idx %arg7[%add3A_277] : memref<1664xf32, #tpu.memory_space<vmem>>[vector<16xi32>], vector<16xf32>,
    %bitcast3A_279 = vector.bitcast %gather3A_278 : vector<16xf32> to vector<16xi32>
    %and3A_280 = arith.constant 2047 : i32
    %and3A_281 = vector.broadcast %and3A_280 : i32 to vector<16xi32>
    %and3A_282 = arith.andi %bitcast3A_279, %and3A_281 : vector<16xi32>
    %add3A_283 = arith.constant 646 : i32
    %add3A_284 = vector.broadcast %add3A_283 : i32 to vector<16xi32>
    %add3A_285 = arith.addi %mul3A_17, %add3A_284 : vector<16xi32>
    %gather3A_286 = tpu.vector_load_idx %arg7[%add3A_285] : memref<1664xf32, #tpu.memory_space<vmem>>[vector<16xi32>], vector<16xf32>,
    %bitcast3A_287 = vector.bitcast %gather3A_286 : vector<16xf32> to vector<16xi32>
    %and3A_288 = arith.constant 2047 : i32
    %and3A_289 = vector.broadcast %and3A_288 : i32 to vector<16xi32>
    %and3A_290 = arith.andi %bitcast3A_287, %and3A_289 : vector<16xi32>
    %gather3A_291 = tpu.vector_load_idx %arg8[%and3A_282] : memref<2048xf32, #tpu.memory_space<vmem>>[vector<16xi32>], vector<16xf32>,
    %gather3A_292 = tpu.vector_load_idx %arg9[%and3A_290] : memref<2048xf32, #tpu.memory_space<vmem>>[vector<16xi32>], vector<16xf32>,
    %mul3A_293 = arith.constant 2.000000e+00 : f32
    %mul3A_294 = vector.broadcast %mul3A_293 : f32 to vector<16xf32>
    %mul3A_295 = arith.mulf %mul3A_294, %gather3A_266 : vector<16xf32>
    %sub3A_296 = arith.subf %gather3A_274, %mul3A_295 : vector<16xf32>
    %add3A_297 = arith.addf %sub3A_296, %gather3A_291 : vector<16xf32>
    %mul3A_298 = arith.constant 7.812500e-03 : f32
    %mul3A_299 = vector.broadcast %mul3A_298 : f32 to vector<16xf32>
    %mul3A_300 = arith.mulf %add3A_297, %mul3A_299 : vector<16xf32>
    %swap3A_301 = arith.constant 80 : index
    %swap3A_302 = tpu.vector_load %arg10[%swap3A_301] {strides = array<i32>} : memref<208xf32, #tpu.memory_space<vmem>>, vector<16xf32>,
    tpu.vector_store %arg10[%swap3A_301], %mul3A_300 {strides = array<i32>} : memref<208xf32, #tpu.memory_space<vmem>>, vector<16xf32>,
    %mul3A_303 = arith.constant 2.000000e+00 : f32
    %mul3A_304 = vector.broadcast %mul3A_303 : f32 to vector<16xf32>
    %mul3A_305 = arith.mulf %mul3A_304, %gather3A_270 : vector<16xf32>
    %sub3A_306 = arith.subf %gather3A_274, %mul3A_305 : vector<16xf32>
    %add3A_307 = arith.addf %sub3A_306, %gather3A_292 : vector<16xf32>
    %mul3A_308 = arith.constant 7.812500e-03 : f32
    %mul3A_309 = vector.broadcast %mul3A_308 : f32 to vector<16xf32>
    %mul3A_310 = arith.mulf %add3A_307, %mul3A_309 : vector<16xf32>
    %swap3A_311 = arith.constant 80 : index
    %swap3A_312 = tpu.vector_load %arg11[%swap3A_311] {strides = array<i32>} : memref<208xf32, #tpu.memory_space<vmem>>, vector<16xf32>,
    tpu.vector_store %arg11[%swap3A_311], %mul3A_310 {strides = array<i32>} : memref<208xf32, #tpu.memory_space<vmem>>, vector<16xf32>,
    %add3A_313 = arith.constant 770 : i32
    %add3A_314 = vector.broadcast %add3A_313 : i32 to vector<16xi32>
    %add3A_315 = arith.addi %mul3A_17, %add3A_314 : vector<16xi32>
    %gather3A_316 = tpu.vector_load_idx %arg7[%add3A_315] : memref<1664xf32, #tpu.memory_space<vmem>>[vector<16xi32>], vector<16xf32>,
    %add3A_317 = arith.constant 771 : i32
    %add3A_318 = vector.broadcast %add3A_317 : i32 to vector<16xi32>
    %add3A_319 = arith.addi %mul3A_17, %add3A_318 : vector<16xi32>
    %gather3A_320 = tpu.vector_load_idx %arg7[%add3A_319] : memref<1664xf32, #tpu.memory_space<vmem>>[vector<16xi32>], vector<16xf32>,
    %add3A_321 = arith.constant 772 : i32
    %add3A_322 = vector.broadcast %add3A_321 : i32 to vector<16xi32>
    %add3A_323 = arith.addi %mul3A_17, %add3A_322 : vector<16xi32>
    %gather3A_324 = tpu.vector_load_idx %arg7[%add3A_323] : memref<1664xf32, #tpu.memory_space<vmem>>[vector<16xi32>], vector<16xf32>,
    %add3A_325 = arith.constant 773 : i32
    %add3A_326 = vector.broadcast %add3A_325 : i32 to vector<16xi32>
    %add3A_327 = arith.addi %mul3A_17, %add3A_326 : vector<16xi32>
    %gather3A_328 = tpu.vector_load_idx %arg7[%add3A_327] : memref<1664xf32, #tpu.memory_space<vmem>>[vector<16xi32>], vector<16xf32>,
    %bitcast3A_329 = vector.bitcast %gather3A_328 : vector<16xf32> to vector<16xi32>
    %and3A_330 = arith.constant 2047 : i32
    %and3A_331 = vector.broadcast %and3A_330 : i32 to vector<16xi32>
    %and3A_332 = arith.andi %bitcast3A_329, %and3A_331 : vector<16xi32>
    %add3A_333 = arith.constant 774 : i32
    %add3A_334 = vector.broadcast %add3A_333 : i32 to vector<16xi32>
    %add3A_335 = arith.addi %mul3A_17, %add3A_334 : vector<16xi32>
    %gather3A_336 = tpu.vector_load_idx %arg7[%add3A_335] : memref<1664xf32, #tpu.memory_space<vmem>>[vector<16xi32>], vector<16xf32>,
    %bitcast3A_337 = vector.bitcast %gather3A_336 : vector<16xf32> to vector<16xi32>
    %and3A_338 = arith.constant 2047 : i32
    %and3A_339 = vector.broadcast %and3A_338 : i32 to vector<16xi32>
    %and3A_340 = arith.andi %bitcast3A_337, %and3A_339 : vector<16xi32>
    %gather3A_341 = tpu.vector_load_idx %arg8[%and3A_332] : memref<2048xf32, #tpu.memory_space<vmem>>[vector<16xi32>], vector<16xf32>,
    %gather3A_342 = tpu.vector_load_idx %arg9[%and3A_340] : memref<2048xf32, #tpu.memory_space<vmem>>[vector<16xi32>], vector<16xf32>,
    %mul3A_343 = arith.constant 2.000000e+00 : f32
    %mul3A_344 = vector.broadcast %mul3A_343 : f32 to vector<16xf32>
    %mul3A_345 = arith.mulf %mul3A_344, %gather3A_316 : vector<16xf32>
    %sub3A_346 = arith.subf %gather3A_324, %mul3A_345 : vector<16xf32>
    %add3A_347 = arith.addf %sub3A_346, %gather3A_341 : vector<16xf32>
    %mul3A_348 = arith.constant 7.812500e-03 : f32
    %mul3A_349 = vector.broadcast %mul3A_348 : f32 to vector<16xf32>
    %mul3A_350 = arith.mulf %add3A_347, %mul3A_349 : vector<16xf32>
    %swap3A_351 = arith.constant 96 : index
    %swap3A_352 = tpu.vector_load %arg10[%swap3A_351] {strides = array<i32>} : memref<208xf32, #tpu.memory_space<vmem>>, vector<16xf32>,
    tpu.vector_store %arg10[%swap3A_351], %mul3A_350 {strides = array<i32>} : memref<208xf32, #tpu.memory_space<vmem>>, vector<16xf32>,
    %mul3A_353 = arith.constant 2.000000e+00 : f32
    %mul3A_354 = vector.broadcast %mul3A_353 : f32 to vector<16xf32>
    %mul3A_355 = arith.mulf %mul3A_354, %gather3A_320 : vector<16xf32>
    %sub3A_356 = arith.subf %gather3A_324, %mul3A_355 : vector<16xf32>
    %add3A_357 = arith.addf %sub3A_356, %gather3A_342 : vector<16xf32>
    %mul3A_358 = arith.constant 7.812500e-03 : f32
    %mul3A_359 = vector.broadcast %mul3A_358 : f32 to vector<16xf32>
    %mul3A_360 = arith.mulf %add3A_357, %mul3A_359 : vector<16xf32>
    %swap3A_361 = arith.constant 96 : index
    %swap3A_362 = tpu.vector_load %arg11[%swap3A_361] {strides = array<i32>} : memref<208xf32, #tpu.memory_space<vmem>>, vector<16xf32>,
    tpu.vector_store %arg11[%swap3A_361], %mul3A_360 {strides = array<i32>} : memref<208xf32, #tpu.memory_space<vmem>>, vector<16xf32>,
    %add3A_363 = arith.constant 898 : i32
    %add3A_364 = vector.broadcast %add3A_363 : i32 to vector<16xi32>
    %add3A_365 = arith.addi %mul3A_17, %add3A_364 : vector<16xi32>
    %gather3A_366 = tpu.vector_load_idx %arg7[%add3A_365] : memref<1664xf32, #tpu.memory_space<vmem>>[vector<16xi32>], vector<16xf32>,
    %add3A_367 = arith.constant 899 : i32
    %add3A_368 = vector.broadcast %add3A_367 : i32 to vector<16xi32>
    %add3A_369 = arith.addi %mul3A_17, %add3A_368 : vector<16xi32>
    %gather3A_370 = tpu.vector_load_idx %arg7[%add3A_369] : memref<1664xf32, #tpu.memory_space<vmem>>[vector<16xi32>], vector<16xf32>,
    %add3A_371 = arith.constant 900 : i32
    %add3A_372 = vector.broadcast %add3A_371 : i32 to vector<16xi32>
    %add3A_373 = arith.addi %mul3A_17, %add3A_372 : vector<16xi32>
    %gather3A_374 = tpu.vector_load_idx %arg7[%add3A_373] : memref<1664xf32, #tpu.memory_space<vmem>>[vector<16xi32>], vector<16xf32>,
    %add3A_375 = arith.constant 901 : i32
    %add3A_376 = vector.broadcast %add3A_375 : i32 to vector<16xi32>
    %add3A_377 = arith.addi %mul3A_17, %add3A_376 : vector<16xi32>
    %gather3A_378 = tpu.vector_load_idx %arg7[%add3A_377] : memref<1664xf32, #tpu.memory_space<vmem>>[vector<16xi32>], vector<16xf32>,
    %bitcast3A_379 = vector.bitcast %gather3A_378 : vector<16xf32> to vector<16xi32>
    %and3A_380 = arith.constant 2047 : i32
    %and3A_381 = vector.broadcast %and3A_380 : i32 to vector<16xi32>
    %and3A_382 = arith.andi %bitcast3A_379, %and3A_381 : vector<16xi32>
    %add3A_383 = arith.constant 902 : i32
    %add3A_384 = vector.broadcast %add3A_383 : i32 to vector<16xi32>
    %add3A_385 = arith.addi %mul3A_17, %add3A_384 : vector<16xi32>
    %gather3A_386 = tpu.vector_load_idx %arg7[%add3A_385] : memref<1664xf32, #tpu.memory_space<vmem>>[vector<16xi32>], vector<16xf32>,
    %bitcast3A_387 = vector.bitcast %gather3A_386 : vector<16xf32> to vector<16xi32>
    %and3A_388 = arith.constant 2047 : i32
    %and3A_389 = vector.broadcast %and3A_388 : i32 to vector<16xi32>
    %and3A_390 = arith.andi %bitcast3A_387, %and3A_389 : vector<16xi32>
    %gather3A_391 = tpu.vector_load_idx %arg8[%and3A_382] : memref<2048xf32, #tpu.memory_space<vmem>>[vector<16xi32>], vector<16xf32>,
    %gather3A_392 = tpu.vector_load_idx %arg9[%and3A_390] : memref<2048xf32, #tpu.memory_space<vmem>>[vector<16xi32>], vector<16xf32>,
    %mul3A_393 = arith.constant 2.000000e+00 : f32
    %mul3A_394 = vector.broadcast %mul3A_393 : f32 to vector<16xf32>
    %mul3A_395 = arith.mulf %mul3A_394, %gather3A_366 : vector<16xf32>
    %sub3A_396 = arith.subf %gather3A_374, %mul3A_395 : vector<16xf32>
    %add3A_397 = arith.addf %sub3A_396, %gather3A_391 : vector<16xf32>
    %mul3A_398 = arith.constant 7.812500e-03 : f32
    %mul3A_399 = vector.broadcast %mul3A_398 : f32 to vector<16xf32>
    %mul3A_400 = arith.mulf %add3A_397, %mul3A_399 : vector<16xf32>
    %swap3A_401 = arith.constant 112 : index
    %swap3A_402 = tpu.vector_load %arg10[%swap3A_401] {strides = array<i32>} : memref<208xf32, #tpu.memory_space<vmem>>, vector<16xf32>,
    tpu.vector_store %arg10[%swap3A_401], %mul3A_400 {strides = array<i32>} : memref<208xf32, #tpu.memory_space<vmem>>, vector<16xf32>,
    %mul3A_403 = arith.constant 2.000000e+00 : f32
    %mul3A_404 = vector.broadcast %mul3A_403 : f32 to vector<16xf32>
    %mul3A_405 = arith.mulf %mul3A_404, %gather3A_370 : vector<16xf32>
    %sub3A_406 = arith.subf %gather3A_374, %mul3A_405 : vector<16xf32>
    %add3A_407 = arith.addf %sub3A_406, %gather3A_392 : vector<16xf32>
    %mul3A_408 = arith.constant 7.812500e-03 : f32
    %mul3A_409 = vector.broadcast %mul3A_408 : f32 to vector<16xf32>
    %mul3A_410 = arith.mulf %add3A_407, %mul3A_409 : vector<16xf32>
    %swap3A_411 = arith.constant 112 : index
    %swap3A_412 = tpu.vector_load %arg11[%swap3A_411] {strides = array<i32>} : memref<208xf32, #tpu.memory_space<vmem>>, vector<16xf32>,
    tpu.vector_store %arg11[%swap3A_411], %mul3A_410 {strides = array<i32>} : memref<208xf32, #tpu.memory_space<vmem>>, vector<16xf32>,
    %add3A_413 = arith.constant 1026 : i32
    %add3A_414 = vector.broadcast %add3A_413 : i32 to vector<16xi32>
    %add3A_415 = arith.addi %mul3A_17, %add3A_414 : vector<16xi32>
    %gather3A_416 = tpu.vector_load_idx %arg7[%add3A_415] : memref<1664xf32, #tpu.memory_space<vmem>>[vector<16xi32>], vector<16xf32>,
    %add3A_417 = arith.constant 1027 : i32
    %add3A_418 = vector.broadcast %add3A_417 : i32 to vector<16xi32>
    %add3A_419 = arith.addi %mul3A_17, %add3A_418 : vector<16xi32>
    %gather3A_420 = tpu.vector_load_idx %arg7[%add3A_419] : memref<1664xf32, #tpu.memory_space<vmem>>[vector<16xi32>], vector<16xf32>,
    %add3A_421 = arith.constant 1028 : i32
    %add3A_422 = vector.broadcast %add3A_421 : i32 to vector<16xi32>
    %add3A_423 = arith.addi %mul3A_17, %add3A_422 : vector<16xi32>
    %gather3A_424 = tpu.vector_load_idx %arg7[%add3A_423] : memref<1664xf32, #tpu.memory_space<vmem>>[vector<16xi32>], vector<16xf32>,
    %add3A_425 = arith.constant 1029 : i32
    %add3A_426 = vector.broadcast %add3A_425 : i32 to vector<16xi32>
    %add3A_427 = arith.addi %mul3A_17, %add3A_426 : vector<16xi32>
    %gather3A_428 = tpu.vector_load_idx %arg7[%add3A_427] : memref<1664xf32, #tpu.memory_space<vmem>>[vector<16xi32>], vector<16xf32>,
    %bitcast3A_429 = vector.bitcast %gather3A_428 : vector<16xf32> to vector<16xi32>
    %and3A_430 = arith.constant 2047 : i32
    %and3A_431 = vector.broadcast %and3A_430 : i32 to vector<16xi32>
    %and3A_432 = arith.andi %bitcast3A_429, %and3A_431 : vector<16xi32>
    %add3A_433 = arith.constant 1030 : i32
    %add3A_434 = vector.broadcast %add3A_433 : i32 to vector<16xi32>
    %add3A_435 = arith.addi %mul3A_17, %add3A_434 : vector<16xi32>
    %gather3A_436 = tpu.vector_load_idx %arg7[%add3A_435] : memref<1664xf32, #tpu.memory_space<vmem>>[vector<16xi32>], vector<16xf32>,
    %bitcast3A_437 = vector.bitcast %gather3A_436 : vector<16xf32> to vector<16xi32>
    %and3A_438 = arith.constant 2047 : i32
    %and3A_439 = vector.broadcast %and3A_438 : i32 to vector<16xi32>
    %and3A_440 = arith.andi %bitcast3A_437, %and3A_439 : vector<16xi32>
    %gather3A_441 = tpu.vector_load_idx %arg8[%and3A_432] : memref<2048xf32, #tpu.memory_space<vmem>>[vector<16xi32>], vector<16xf32>,
    %gather3A_442 = tpu.vector_load_idx %arg9[%and3A_440] : memref<2048xf32, #tpu.memory_space<vmem>>[vector<16xi32>], vector<16xf32>,
    %mul3A_443 = arith.constant 2.000000e+00 : f32
    %mul3A_444 = vector.broadcast %mul3A_443 : f32 to vector<16xf32>
    %mul3A_445 = arith.mulf %mul3A_444, %gather3A_416 : vector<16xf32>
    %sub3A_446 = arith.subf %gather3A_424, %mul3A_445 : vector<16xf32>
    %add3A_447 = arith.addf %sub3A_446, %gather3A_441 : vector<16xf32>
    %mul3A_448 = arith.constant 7.812500e-03 : f32
    %mul3A_449 = vector.broadcast %mul3A_448 : f32 to vector<16xf32>
    %mul3A_450 = arith.mulf %add3A_447, %mul3A_449 : vector<16xf32>
    %swap3A_451 = arith.constant 128 : index
    %swap3A_452 = tpu.vector_load %arg10[%swap3A_451] {strides = array<i32>} : memref<208xf32, #tpu.memory_space<vmem>>, vector<16xf32>,
    tpu.vector_store %arg10[%swap3A_451], %mul3A_450 {strides = array<i32>} : memref<208xf32, #tpu.memory_space<vmem>>, vector<16xf32>,
    %mul3A_453 = arith.constant 2.000000e+00 : f32
    %mul3A_454 = vector.broadcast %mul3A_453 : f32 to vector<16xf32>
    %mul3A_455 = arith.mulf %mul3A_454, %gather3A_420 : vector<16xf32>
    %sub3A_456 = arith.subf %gather3A_424, %mul3A_455 : vector<16xf32>
    %add3A_457 = arith.addf %sub3A_456, %gather3A_442 : vector<16xf32>
    %mul3A_458 = arith.constant 7.812500e-03 : f32
    %mul3A_459 = vector.broadcast %mul3A_458 : f32 to vector<16xf32>
    %mul3A_460 = arith.mulf %add3A_457, %mul3A_459 : vector<16xf32>
    %swap3A_461 = arith.constant 128 : index
    %swap3A_462 = tpu.vector_load %arg11[%swap3A_461] {strides = array<i32>} : memref<208xf32, #tpu.memory_space<vmem>>, vector<16xf32>,
    tpu.vector_store %arg11[%swap3A_461], %mul3A_460 {strides = array<i32>} : memref<208xf32, #tpu.memory_space<vmem>>, vector<16xf32>,
    %add3A_463 = arith.constant 1154 : i32
    %add3A_464 = vector.broadcast %add3A_463 : i32 to vector<16xi32>
    %add3A_465 = arith.addi %mul3A_17, %add3A_464 : vector<16xi32>
    %gather3A_466 = tpu.vector_load_idx %arg7[%add3A_465] : memref<1664xf32, #tpu.memory_space<vmem>>[vector<16xi32>], vector<16xf32>,
    %add3A_467 = arith.constant 1155 : i32
    %add3A_468 = vector.broadcast %add3A_467 : i32 to vector<16xi32>
    %add3A_469 = arith.addi %mul3A_17, %add3A_468 : vector<16xi32>
    %gather3A_470 = tpu.vector_load_idx %arg7[%add3A_469] : memref<1664xf32, #tpu.memory_space<vmem>>[vector<16xi32>], vector<16xf32>,
    %add3A_471 = arith.constant 1156 : i32
    %add3A_472 = vector.broadcast %add3A_471 : i32 to vector<16xi32>
    %add3A_473 = arith.addi %mul3A_17, %add3A_472 : vector<16xi32>
    %gather3A_474 = tpu.vector_load_idx %arg7[%add3A_473] : memref<1664xf32, #tpu.memory_space<vmem>>[vector<16xi32>], vector<16xf32>,
    %add3A_475 = arith.constant 1157 : i32
    %add3A_476 = vector.broadcast %add3A_475 : i32 to vector<16xi32>
    %add3A_477 = arith.addi %mul3A_17, %add3A_476 : vector<16xi32>
    %gather3A_478 = tpu.vector_load_idx %arg7[%add3A_477] : memref<1664xf32, #tpu.memory_space<vmem>>[vector<16xi32>], vector<16xf32>,
    %bitcast3A_479 = vector.bitcast %gather3A_478 : vector<16xf32> to vector<16xi32>
    %and3A_480 = arith.constant 2047 : i32
    %and3A_481 = vector.broadcast %and3A_480 : i32 to vector<16xi32>
    %and3A_482 = arith.andi %bitcast3A_479, %and3A_481 : vector<16xi32>
    %add3A_483 = arith.constant 1158 : i32
    %add3A_484 = vector.broadcast %add3A_483 : i32 to vector<16xi32>
    %add3A_485 = arith.addi %mul3A_17, %add3A_484 : vector<16xi32>
    %gather3A_486 = tpu.vector_load_idx %arg7[%add3A_485] : memref<1664xf32, #tpu.memory_space<vmem>>[vector<16xi32>], vector<16xf32>,
    %bitcast3A_487 = vector.bitcast %gather3A_486 : vector<16xf32> to vector<16xi32>
    %and3A_488 = arith.constant 2047 : i32
    %and3A_489 = vector.broadcast %and3A_488 : i32 to vector<16xi32>
    %and3A_490 = arith.andi %bitcast3A_487, %and3A_489 : vector<16xi32>
    %gather3A_491 = tpu.vector_load_idx %arg8[%and3A_482] : memref<2048xf32, #tpu.memory_space<vmem>>[vector<16xi32>], vector<16xf32>,
    %gather3A_492 = tpu.vector_load_idx %arg9[%and3A_490] : memref<2048xf32, #tpu.memory_space<vmem>>[vector<16xi32>], vector<16xf32>,
    %mul3A_493 = arith.constant 2.000000e+00 : f32
    %mul3A_494 = vector.broadcast %mul3A_493 : f32 to vector<16xf32>
    %mul3A_495 = arith.mulf %mul3A_494, %gather3A_466 : vector<16xf32>
    %sub3A_496 = arith.subf %gather3A_474, %mul3A_495 : vector<16xf32>
    %add3A_497 = arith.addf %sub3A_496, %gather3A_491 : vector<16xf32>
    %mul3A_498 = arith.constant 7.812500e-03 : f32
    %mul3A_499 = vector.broadcast %mul3A_498 : f32 to vector<16xf32>
    %mul3A_500 = arith.mulf %add3A_497, %mul3A_499 : vector<16xf32>
    %swap3A_501 = arith.constant 144 : index
    %swap3A_502 = tpu.vector_load %arg10[%swap3A_501] {strides = array<i32>} : memref<208xf32, #tpu.memory_space<vmem>>, vector<16xf32>,
    tpu.vector_store %arg10[%swap3A_501], %mul3A_500 {strides = array<i32>} : memref<208xf32, #tpu.memory_space<vmem>>, vector<16xf32>,
    %mul3A_503 = arith.constant 2.000000e+00 : f32
    %mul3A_504 = vector.broadcast %mul3A_503 : f32 to vector<16xf32>
    %mul3A_505 = arith.mulf %mul3A_504, %gather3A_470 : vector<16xf32>
    %sub3A_506 = arith.subf %gather3A_474, %mul3A_505 : vector<16xf32>
    %add3A_507 = arith.addf %sub3A_506, %gather3A_492 : vector<16xf32>
    %mul3A_508 = arith.constant 7.812500e-03 : f32
    %mul3A_509 = vector.broadcast %mul3A_508 : f32 to vector<16xf32>
    %mul3A_510 = arith.mulf %add3A_507, %mul3A_509 : vector<16xf32>
    %swap3A_511 = arith.constant 144 : index
    %swap3A_512 = tpu.vector_load %arg11[%swap3A_511] {strides = array<i32>} : memref<208xf32, #tpu.memory_space<vmem>>, vector<16xf32>,
    tpu.vector_store %arg11[%swap3A_511], %mul3A_510 {strides = array<i32>} : memref<208xf32, #tpu.memory_space<vmem>>, vector<16xf32>,
    %add3A_513 = arith.constant 1282 : i32
    %add3A_514 = vector.broadcast %add3A_513 : i32 to vector<16xi32>
    %add3A_515 = arith.addi %mul3A_17, %add3A_514 : vector<16xi32>
    %gather3A_516 = tpu.vector_load_idx %arg7[%add3A_515] : memref<1664xf32, #tpu.memory_space<vmem>>[vector<16xi32>], vector<16xf32>,
    %add3A_517 = arith.constant 1283 : i32
    %add3A_518 = vector.broadcast %add3A_517 : i32 to vector<16xi32>
    %add3A_519 = arith.addi %mul3A_17, %add3A_518 : vector<16xi32>
    %gather3A_520 = tpu.vector_load_idx %arg7[%add3A_519] : memref<1664xf32, #tpu.memory_space<vmem>>[vector<16xi32>], vector<16xf32>,
    %add3A_521 = arith.constant 1284 : i32
    %add3A_522 = vector.broadcast %add3A_521 : i32 to vector<16xi32>
    %add3A_523 = arith.addi %mul3A_17, %add3A_522 : vector<16xi32>
    %gather3A_524 = tpu.vector_load_idx %arg7[%add3A_523] : memref<1664xf32, #tpu.memory_space<vmem>>[vector<16xi32>], vector<16xf32>,
    %add3A_525 = arith.constant 1285 : i32
    %add3A_526 = vector.broadcast %add3A_525 : i32 to vector<16xi32>
    %add3A_527 = arith.addi %mul3A_17, %add3A_526 : vector<16xi32>
    %gather3A_528 = tpu.vector_load_idx %arg7[%add3A_527] : memref<1664xf32, #tpu.memory_space<vmem>>[vector<16xi32>], vector<16xf32>,
    %bitcast3A_529 = vector.bitcast %gather3A_528 : vector<16xf32> to vector<16xi32>
    %and3A_530 = arith.constant 2047 : i32
    %and3A_531 = vector.broadcast %and3A_530 : i32 to vector<16xi32>
    %and3A_532 = arith.andi %bitcast3A_529, %and3A_531 : vector<16xi32>
    %add3A_533 = arith.constant 1286 : i32
    %add3A_534 = vector.broadcast %add3A_533 : i32 to vector<16xi32>
    %add3A_535 = arith.addi %mul3A_17, %add3A_534 : vector<16xi32>
    %gather3A_536 = tpu.vector_load_idx %arg7[%add3A_535] : memref<1664xf32, #tpu.memory_space<vmem>>[vector<16xi32>], vector<16xf32>,
    %bitcast3A_537 = vector.bitcast %gather3A_536 : vector<16xf32> to vector<16xi32>
    %and3A_538 = arith.constant 2047 : i32
    %and3A_539 = vector.broadcast %and3A_538 : i32 to vector<16xi32>
    %and3A_540 = arith.andi %bitcast3A_537, %and3A_539 : vector<16xi32>
    %gather3A_541 = tpu.vector_load_idx %arg8[%and3A_532] : memref<2048xf32, #tpu.memory_space<vmem>>[vector<16xi32>], vector<16xf32>,
    %gather3A_542 = tpu.vector_load_idx %arg9[%and3A_540] : memref<2048xf32, #tpu.memory_space<vmem>>[vector<16xi32>], vector<16xf32>,
    %mul3A_543 = arith.constant 2.000000e+00 : f32
    %mul3A_544 = vector.broadcast %mul3A_543 : f32 to vector<16xf32>
    %mul3A_545 = arith.mulf %mul3A_544, %gather3A_516 : vector<16xf32>
    %sub3A_546 = arith.subf %gather3A_524, %mul3A_545 : vector<16xf32>
    %add3A_547 = arith.addf %sub3A_546, %gather3A_541 : vector<16xf32>
    %mul3A_548 = arith.constant 7.812500e-03 : f32
    %mul3A_549 = vector.broadcast %mul3A_548 : f32 to vector<16xf32>
    %mul3A_550 = arith.mulf %add3A_547, %mul3A_549 : vector<16xf32>
    %swap3A_551 = arith.constant 160 : index
    %swap3A_552 = tpu.vector_load %arg10[%swap3A_551] {strides = array<i32>} : memref<208xf32, #tpu.memory_space<vmem>>, vector<16xf32>,
    tpu.vector_store %arg10[%swap3A_551], %mul3A_550 {strides = array<i32>} : memref<208xf32, #tpu.memory_space<vmem>>, vector<16xf32>,
    %mul3A_553 = arith.constant 2.000000e+00 : f32
    %mul3A_554 = vector.broadcast %mul3A_553 : f32 to vector<16xf32>
    %mul3A_555 = arith.mulf %mul3A_554, %gather3A_520 : vector<16xf32>
    %sub3A_556 = arith.subf %gather3A_524, %mul3A_555 : vector<16xf32>
    %add3A_557 = arith.addf %sub3A_556, %gather3A_542 : vector<16xf32>
    %mul3A_558 = arith.constant 7.812500e-03 : f32
    %mul3A_559 = vector.broadcast %mul3A_558 : f32 to vector<16xf32>
    %mul3A_560 = arith.mulf %add3A_557, %mul3A_559 : vector<16xf32>
    %swap3A_561 = arith.constant 160 : index
    %swap3A_562 = tpu.vector_load %arg11[%swap3A_561] {strides = array<i32>} : memref<208xf32, #tpu.memory_space<vmem>>, vector<16xf32>,
    tpu.vector_store %arg11[%swap3A_561], %mul3A_560 {strides = array<i32>} : memref<208xf32, #tpu.memory_space<vmem>>, vector<16xf32>,
    %add3A_563 = arith.constant 1410 : i32
    %add3A_564 = vector.broadcast %add3A_563 : i32 to vector<16xi32>
    %add3A_565 = arith.addi %mul3A_17, %add3A_564 : vector<16xi32>
    %gather3A_566 = tpu.vector_load_idx %arg7[%add3A_565] : memref<1664xf32, #tpu.memory_space<vmem>>[vector<16xi32>], vector<16xf32>,
    %add3A_567 = arith.constant 1411 : i32
    %add3A_568 = vector.broadcast %add3A_567 : i32 to vector<16xi32>
    %add3A_569 = arith.addi %mul3A_17, %add3A_568 : vector<16xi32>
    %gather3A_570 = tpu.vector_load_idx %arg7[%add3A_569] : memref<1664xf32, #tpu.memory_space<vmem>>[vector<16xi32>], vector<16xf32>,
    %add3A_571 = arith.constant 1412 : i32
    %add3A_572 = vector.broadcast %add3A_571 : i32 to vector<16xi32>
    %add3A_573 = arith.addi %mul3A_17, %add3A_572 : vector<16xi32>
    %gather3A_574 = tpu.vector_load_idx %arg7[%add3A_573] : memref<1664xf32, #tpu.memory_space<vmem>>[vector<16xi32>], vector<16xf32>,
    %add3A_575 = arith.constant 1413 : i32
    %add3A_576 = vector.broadcast %add3A_575 : i32 to vector<16xi32>
    %add3A_577 = arith.addi %mul3A_17, %add3A_576 : vector<16xi32>
    %gather3A_578 = tpu.vector_load_idx %arg7[%add3A_577] : memref<1664xf32, #tpu.memory_space<vmem>>[vector<16xi32>], vector<16xf32>,
    %bitcast3A_579 = vector.bitcast %gather3A_578 : vector<16xf32> to vector<16xi32>
    %and3A_580 = arith.constant 2047 : i32
    %and3A_581 = vector.broadcast %and3A_580 : i32 to vector<16xi32>
    %and3A_582 = arith.andi %bitcast3A_579, %and3A_581 : vector<16xi32>
    %add3A_583 = arith.constant 1414 : i32
    %add3A_584 = vector.broadcast %add3A_583 : i32 to vector<16xi32>
    %add3A_585 = arith.addi %mul3A_17, %add3A_584 : vector<16xi32>
    %gather3A_586 = tpu.vector_load_idx %arg7[%add3A_585] : memref<1664xf32, #tpu.memory_space<vmem>>[vector<16xi32>], vector<16xf32>,
    %bitcast3A_587 = vector.bitcast %gather3A_586 : vector<16xf32> to vector<16xi32>
    %and3A_588 = arith.constant 2047 : i32
    %and3A_589 = vector.broadcast %and3A_588 : i32 to vector<16xi32>
    %and3A_590 = arith.andi %bitcast3A_587, %and3A_589 : vector<16xi32>
    %gather3A_591 = tpu.vector_load_idx %arg8[%and3A_582] : memref<2048xf32, #tpu.memory_space<vmem>>[vector<16xi32>], vector<16xf32>,
    %gather3A_592 = tpu.vector_load_idx %arg9[%and3A_590] : memref<2048xf32, #tpu.memory_space<vmem>>[vector<16xi32>], vector<16xf32>,
    %mul3A_593 = arith.constant 2.000000e+00 : f32
    %mul3A_594 = vector.broadcast %mul3A_593 : f32 to vector<16xf32>
    %mul3A_595 = arith.mulf %mul3A_594, %gather3A_566 : vector<16xf32>
    %sub3A_596 = arith.subf %gather3A_574, %mul3A_595 : vector<16xf32>
    %add3A_597 = arith.addf %sub3A_596, %gather3A_591 : vector<16xf32>
    %mul3A_598 = arith.constant 7.812500e-03 : f32
    %mul3A_599 = vector.broadcast %mul3A_598 : f32 to vector<16xf32>
    %mul3A_600 = arith.mulf %add3A_597, %mul3A_599 : vector<16xf32>
    %swap3A_601 = arith.constant 176 : index
    %swap3A_602 = tpu.vector_load %arg10[%swap3A_601] {strides = array<i32>} : memref<208xf32, #tpu.memory_space<vmem>>, vector<16xf32>,
    tpu.vector_store %arg10[%swap3A_601], %mul3A_600 {strides = array<i32>} : memref<208xf32, #tpu.memory_space<vmem>>, vector<16xf32>,
    %mul3A_603 = arith.constant 2.000000e+00 : f32
    %mul3A_604 = vector.broadcast %mul3A_603 : f32 to vector<16xf32>
    %mul3A_605 = arith.mulf %mul3A_604, %gather3A_570 : vector<16xf32>
    %sub3A_606 = arith.subf %gather3A_574, %mul3A_605 : vector<16xf32>
    %add3A_607 = arith.addf %sub3A_606, %gather3A_592 : vector<16xf32>
    %mul3A_608 = arith.constant 7.812500e-03 : f32
    %mul3A_609 = vector.broadcast %mul3A_608 : f32 to vector<16xf32>
    %mul3A_610 = arith.mulf %add3A_607, %mul3A_609 : vector<16xf32>
    %swap3A_611 = arith.constant 176 : index
    %swap3A_612 = tpu.vector_load %arg11[%swap3A_611] {strides = array<i32>} : memref<208xf32, #tpu.memory_space<vmem>>, vector<16xf32>,
    tpu.vector_store %arg11[%swap3A_611], %mul3A_610 {strides = array<i32>} : memref<208xf32, #tpu.memory_space<vmem>>, vector<16xf32>,
    %add3A_613 = arith.constant 1538 : i32
    %add3A_614 = vector.broadcast %add3A_613 : i32 to vector<16xi32>
    %add3A_615 = arith.addi %mul3A_17, %add3A_614 : vector<16xi32>
    %gather3A_616 = tpu.vector_load_idx %arg7[%add3A_615] : memref<1664xf32, #tpu.memory_space<vmem>>[vector<16xi32>], vector<16xf32>,
    %add3A_617 = arith.constant 1539 : i32
    %add3A_618 = vector.broadcast %add3A_617 : i32 to vector<16xi32>
    %add3A_619 = arith.addi %mul3A_17, %add3A_618 : vector<16xi32>
    %gather3A_620 = tpu.vector_load_idx %arg7[%add3A_619] : memref<1664xf32, #tpu.memory_space<vmem>>[vector<16xi32>], vector<16xf32>,
    %add3A_621 = arith.constant 1540 : i32
    %add3A_622 = vector.broadcast %add3A_621 : i32 to vector<16xi32>
    %add3A_623 = arith.addi %mul3A_17, %add3A_622 : vector<16xi32>
    %gather3A_624 = tpu.vector_load_idx %arg7[%add3A_623] : memref<1664xf32, #tpu.memory_space<vmem>>[vector<16xi32>], vector<16xf32>,
    %add3A_625 = arith.constant 1541 : i32
    %add3A_626 = vector.broadcast %add3A_625 : i32 to vector<16xi32>
    %add3A_627 = arith.addi %mul3A_17, %add3A_626 : vector<16xi32>
    %gather3A_628 = tpu.vector_load_idx %arg7[%add3A_627] : memref<1664xf32, #tpu.memory_space<vmem>>[vector<16xi32>], vector<16xf32>,
    %bitcast3A_629 = vector.bitcast %gather3A_628 : vector<16xf32> to vector<16xi32>
    %and3A_630 = arith.constant 2047 : i32
    %and3A_631 = vector.broadcast %and3A_630 : i32 to vector<16xi32>
    %and3A_632 = arith.andi %bitcast3A_629, %and3A_631 : vector<16xi32>
    %add3A_633 = arith.constant 1542 : i32
    %add3A_634 = vector.broadcast %add3A_633 : i32 to vector<16xi32>
    %add3A_635 = arith.addi %mul3A_17, %add3A_634 : vector<16xi32>
    %gather3A_636 = tpu.vector_load_idx %arg7[%add3A_635] : memref<1664xf32, #tpu.memory_space<vmem>>[vector<16xi32>], vector<16xf32>,
    %bitcast3A_637 = vector.bitcast %gather3A_636 : vector<16xf32> to vector<16xi32>
    %and3A_638 = arith.constant 2047 : i32
    %and3A_639 = vector.broadcast %and3A_638 : i32 to vector<16xi32>
    %and3A_640 = arith.andi %bitcast3A_637, %and3A_639 : vector<16xi32>
    %gather3A_641 = tpu.vector_load_idx %arg8[%and3A_632] : memref<2048xf32, #tpu.memory_space<vmem>>[vector<16xi32>], vector<16xf32>,
    %gather3A_642 = tpu.vector_load_idx %arg9[%and3A_640] : memref<2048xf32, #tpu.memory_space<vmem>>[vector<16xi32>], vector<16xf32>,
    %mul3A_643 = arith.constant 2.000000e+00 : f32
    %mul3A_644 = vector.broadcast %mul3A_643 : f32 to vector<16xf32>
    %mul3A_645 = arith.mulf %mul3A_644, %gather3A_616 : vector<16xf32>
    %sub3A_646 = arith.subf %gather3A_624, %mul3A_645 : vector<16xf32>
    %add3A_647 = arith.addf %sub3A_646, %gather3A_641 : vector<16xf32>
    %mul3A_648 = arith.constant 7.812500e-03 : f32
    %mul3A_649 = vector.broadcast %mul3A_648 : f32 to vector<16xf32>
    %mul3A_650 = arith.mulf %add3A_647, %mul3A_649 : vector<16xf32>
    %swap3A_651 = arith.constant 192 : index
    %swap3A_652 = tpu.vector_load %arg10[%swap3A_651] {strides = array<i32>} : memref<208xf32, #tpu.memory_space<vmem>>, vector<16xf32>,
    tpu.vector_store %arg10[%swap3A_651], %mul3A_650 {strides = array<i32>} : memref<208xf32, #tpu.memory_space<vmem>>, vector<16xf32>,
    %mul3A_653 = arith.constant 2.000000e+00 : f32
    %mul3A_654 = vector.broadcast %mul3A_653 : f32 to vector<16xf32>
    %mul3A_655 = arith.mulf %mul3A_654, %gather3A_620 : vector<16xf32>
    %sub3A_656 = arith.subf %gather3A_624, %mul3A_655 : vector<16xf32>
    %add3A_657 = arith.addf %sub3A_656, %gather3A_642 : vector<16xf32>
    %mul3A_658 = arith.constant 7.812500e-03 : f32
    %mul3A_659 = vector.broadcast %mul3A_658 : f32 to vector<16xf32>
    %mul3A_660 = arith.mulf %add3A_657, %mul3A_659 : vector<16xf32>
    %swap3A_661 = arith.constant 192 : index
    %swap3A_662 = tpu.vector_load %arg11[%swap3A_661] {strides = array<i32>} : memref<208xf32, #tpu.memory_space<vmem>>, vector<16xf32>,
    tpu.vector_store %arg11[%swap3A_661], %mul3A_660 {strides = array<i32>} : memref<208xf32, #tpu.memory_space<vmem>>, vector<16xf32>,
    %dma_start3A_663 = arith.constant 0 : i32
    %dma_start3A_664 = tpu.memref_slice %arg10[%dma_start3A_663] : memref<208xf32, #tpu.memory_space<vmem>> -> memref<200xf32, #tpu.memory_space<vmem>>
    %dma_start3A_665 = tpu.memref_slice %arg5[%mul3A_2] : memref<6400xf32, #tpu.memory_space<hbm>> -> memref<200xf32, #tpu.memory_space<hbm>>
    %dma_start3A_666 = tpu.memref_slice %arg5[%mul3A_2] : memref<6400xf32, #tpu.memory_space<hbm>> -> memref<200xf32, #tpu.memory_space<hbm>>
    %dma_start3A_667 = arith.constant 0 : i32
    %dma_start3A_668 = tpu.memref_slice %arg10[%dma_start3A_667] : memref<208xf32, #tpu.memory_space<vmem>> -> memref<200xf32, #tpu.memory_space<vmem>>
    tpu.enqueue_dma source(%dma_start3A_668 : memref<200xf32, #tpu.memory_space<vmem>>) target(%dma_start3A_666 : memref<200xf32, #tpu.memory_space<hbm>>) target_semaphore(%arg12 : memref<!tpu.dma_semaphore, #tpu.memory_space<semaphore_mem>>)
    %dma_start3A_669 = arith.constant 0 : i32
    %dma_start3A_670 = tpu.memref_slice %arg11[%dma_start3A_669] : memref<208xf32, #tpu.memory_space<vmem>> -> memref<200xf32, #tpu.memory_space<vmem>>
    %dma_start3A_671 = tpu.memref_slice %arg6[%mul3A_2] : memref<6400xf32, #tpu.memory_space<hbm>> -> memref<200xf32, #tpu.memory_space<hbm>>
    %dma_start3A_672 = tpu.memref_slice %arg6[%mul3A_2] : memref<6400xf32, #tpu.memory_space<hbm>> -> memref<200xf32, #tpu.memory_space<hbm>>
    %dma_start3A_673 = arith.constant 0 : i32
    %dma_start3A_674 = tpu.memref_slice %arg11[%dma_start3A_673] : memref<208xf32, #tpu.memory_space<vmem>> -> memref<200xf32, #tpu.memory_space<vmem>>
    tpu.enqueue_dma source(%dma_start3A_674 : memref<200xf32, #tpu.memory_space<vmem>>) target(%dma_start3A_672 : memref<200xf32, #tpu.memory_space<hbm>>) target_semaphore(%arg12 : memref<!tpu.dma_semaphore, #tpu.memory_space<semaphore_mem>>)
    %dma_wait3A_675 = arith.constant 0 : i32
    %dma_wait3A_676 = tpu.memref_slice %arg10[%dma_wait3A_675] : memref<208xf32, #tpu.memory_space<vmem>> -> memref<200xf32, #tpu.memory_space<vmem>>
    %dma_wait3A_677 = tpu.memref_slice %arg5[%mul3A_2] : memref<6400xf32, #tpu.memory_space<hbm>> -> memref<200xf32, #tpu.memory_space<hbm>>
    %dma_wait3A_678 = tpu.memref_slice %arg5[%mul3A_2] : memref<6400xf32, #tpu.memory_space<hbm>> -> memref<200xf32, #tpu.memory_space<hbm>>
    %dma_wait3A_679 = arith.constant 0 : i32
    %dma_wait3A_680 = tpu.memref_slice %arg10[%dma_wait3A_679] : memref<208xf32, #tpu.memory_space<vmem>> -> memref<200xf32, #tpu.memory_space<vmem>>
    tpu.wait_dma2 semaphore(%arg12 : memref<!tpu.dma_semaphore, #tpu.memory_space<semaphore_mem>>) src(%dma_wait3A_680 : memref<200xf32, #tpu.memory_space<vmem>>) dst(%dma_wait3A_678 : memref<200xf32, #tpu.memory_space<hbm>>)
    %dma_wait3A_681 = arith.constant 0 : i32
    %dma_wait3A_682 = tpu.memref_slice %arg11[%dma_wait3A_681] : memref<208xf32, #tpu.memory_space<vmem>> -> memref<200xf32, #tpu.memory_space<vmem>>
    %dma_wait3A_683 = tpu.memref_slice %arg6[%mul3A_2] : memref<6400xf32, #tpu.memory_space<hbm>> -> memref<200xf32, #tpu.memory_space<hbm>>
    %dma_wait3A_684 = tpu.memref_slice %arg6[%mul3A_2] : memref<6400xf32, #tpu.memory_space<hbm>> -> memref<200xf32, #tpu.memory_space<hbm>>
    %dma_wait3A_685 = arith.constant 0 : i32
    %dma_wait3A_686 = tpu.memref_slice %arg11[%dma_wait3A_685] : memref<208xf32, #tpu.memory_space<vmem>> -> memref<200xf32, #tpu.memory_space<vmem>>
    tpu.wait_dma2 semaphore(%arg12 : memref<!tpu.dma_semaphore, #tpu.memory_space<semaphore_mem>>) src(%dma_wait3A_686 : memref<200xf32, #tpu.memory_space<vmem>>) dst(%dma_wait3A_684 : memref<200xf32, #tpu.memory_space<hbm>>)
    return
  }
}

module attributes {stable_mosaic.version = 14 : i64} {
  func.func @_tc_body(%arg0: i32, %arg1: memref<1x200x512xf32, #tpu.memory_space<vmem>>, %arg2: memref<2048x128xf32, #tpu.memory_space<vmem>>, %arg3: memref<2048x128xf32, #tpu.memory_space<vmem>>, %arg4: memref<2048x129xbf16, #tpu.memory_space<vmem>>, %arg5: memref<2048x129xbf16, #tpu.memory_space<vmem>>, %arg6: memref<2x2048xbf16, #tpu.memory_space<vmem>>, %arg7: memref<3x512x128xf32, #tpu.memory_space<vmem>>, %arg8: memref<1x128xf32, #tpu.memory_space<vmem>>, %arg9: memref<1x128xf32, #tpu.memory_space<vmem>>, %arg10: memref<1x1xf32, #tpu.memory_space<vmem>>, %arg11: memref<1x128xf32, #tpu.memory_space<vmem>>, %arg12: memref<1x128xf32, #tpu.memory_space<vmem>>, %arg13: memref<1x1xf32, #tpu.memory_space<vmem>>, %arg14: memref<1x200x128xf32, #tpu.memory_space<vmem>>, %arg15: memref<1x200x8xf32, #tpu.memory_space<vmem>>) attributes {dimension_semantics = [#tpu.dimension_semantics<parallel>], iteration_bounds = array<i64: 32>, scalar_prefetch = 0 : i64, scratch_operands = 0 : i64, tpu.core_type = #tpu.core_type<tc>, window_params = [{transform_indices = @transform_0, window_bounds = array<i64: 1, 200, 512>}, {pipeline_mode = #tpu.pipeline_mode<synchronous>, transform_indices = @transform_1, window_bounds = array<i64: 2048, 128>}, {pipeline_mode = #tpu.pipeline_mode<synchronous>, transform_indices = @transform_2, window_bounds = array<i64: 2048, 128>}, {pipeline_mode = #tpu.pipeline_mode<synchronous>, transform_indices = @transform_3, window_bounds = array<i64: 2048, 129>}, {pipeline_mode = #tpu.pipeline_mode<synchronous>, transform_indices = @transform_4, window_bounds = array<i64: 2048, 129>}, {pipeline_mode = #tpu.pipeline_mode<synchronous>, transform_indices = @transform_5, window_bounds = array<i64: 2, 2048>}, {pipeline_mode = #tpu.pipeline_mode<synchronous>, transform_indices = @transform_6, window_bounds = array<i64: 3, 512, 128>}, {pipeline_mode = #tpu.pipeline_mode<synchronous>, transform_indices = @transform_7, window_bounds = array<i64: 1, 128>}, {pipeline_mode = #tpu.pipeline_mode<synchronous>, transform_indices = @transform_8, window_bounds = array<i64: 1, 128>}, {pipeline_mode = #tpu.pipeline_mode<synchronous>, transform_indices = @transform_9, window_bounds = array<i64: 1, 1>}, {pipeline_mode = #tpu.pipeline_mode<synchronous>, transform_indices = @transform_10, window_bounds = array<i64: 1, 128>}, {pipeline_mode = #tpu.pipeline_mode<synchronous>, transform_indices = @transform_11, window_bounds = array<i64: 1, 128>}, {pipeline_mode = #tpu.pipeline_mode<synchronous>, transform_indices = @transform_12, window_bounds = array<i64: 1, 1>}, {transform_indices = @transform_13, window_bounds = array<i64: 1, 200, 128>}, {transform_indices = @transform_14, window_bounds = array<i64: 1, 200, 8>}]} {
    %get3A = arith.constant 0 : index
    %get3A_0 = arith.constant 0 : index
    %get3A_1 = arith.constant 0 : index
    %get3A_2 = vector.load %arg1[%get3A, %get3A_0, %get3A_1] : memref<1x200x512xf32, #tpu.memory_space<vmem>>, vector<1x200x512xf32>
    %get3A_3 = vector.shape_cast %get3A_2 : vector<1x200x512xf32> to vector<200x512xf32>
    %get3A_4 = arith.constant 0 : index
    %get3A_5 = arith.constant 0 : index
    %get3A_6 = arith.constant 0 : index
    %get3A_7 = vector.load %arg7[%get3A_4, %get3A_5, %get3A_6] : memref<3x512x128xf32, #tpu.memory_space<vmem>>, vector<1x512x128xf32>
    %get3A_8 = vector.shape_cast %get3A_7 : vector<1x512x128xf32> to vector<512x128xf32>
    %dot_general3A = arith.constant dense<0.000000e+00> : vector<200x128xf32>
    %dot_general3A_9 = tpu.matmul %get3A_3, %get3A_8, %dot_general3A {dimension_numbers = #tpu.dot_dimension_numbers<[1], [0], [0], [1], [0, 0, 1, 1], [], []>, transpose_lhs_hint = false} : vector<200x512xf32>, vector<512x128xf32>, vector<200x128xf32> -> vector<200x128xf32>
    %get3A_10 = arith.constant 1 : index
    %get3A_11 = arith.constant 0 : index
    %get3A_12 = arith.constant 0 : index
    %get3A_13 = vector.load %arg7[%get3A_10, %get3A_11, %get3A_12] : memref<3x512x128xf32, #tpu.memory_space<vmem>>, vector<1x512x128xf32>
    %get3A_14 = vector.shape_cast %get3A_13 : vector<1x512x128xf32> to vector<512x128xf32>
    %dot_general3A_15 = arith.constant dense<0.000000e+00> : vector<200x128xf32>
    %dot_general3A_16 = tpu.matmul %get3A_3, %get3A_14, %dot_general3A_15 {dimension_numbers = #tpu.dot_dimension_numbers<[1], [0], [0], [1], [0, 0, 1, 1], [], []>, transpose_lhs_hint = false} : vector<200x512xf32>, vector<512x128xf32>, vector<200x128xf32> -> vector<200x128xf32>
    %get3A_17 = arith.constant 2 : index
    %get3A_18 = arith.constant 0 : index
    %get3A_19 = arith.constant 0 : index
    %get3A_20 = vector.load %arg7[%get3A_17, %get3A_18, %get3A_19] : memref<3x512x128xf32, #tpu.memory_space<vmem>>, vector<1x512x128xf32>
    %get3A_21 = vector.shape_cast %get3A_20 : vector<1x512x128xf32> to vector<512x128xf32>
    %dot_general3A_22 = arith.constant dense<0.000000e+00> : vector<200x128xf32>
    %dot_general3A_23 = tpu.matmul %get3A_3, %get3A_21, %dot_general3A_22 {dimension_numbers = #tpu.dot_dimension_numbers<[1], [0], [0], [1], [0, 0, 1, 1], [], []>, transpose_lhs_hint = false} : vector<200x512xf32>, vector<512x128xf32>, vector<200x128xf32> -> vector<200x128xf32>
    %broadcast_in_dim3A = arith.constant 0.000000e+00 : f32
    %broadcast_in_dim3A_24 = vector.broadcast %broadcast_in_dim3A : f32 to vector<1x128xf32>
    %slice3A = vector.extract_strided_slice %dot_general3A_9 {offsets = [0, 0], sizes = [199, 128], strides = [1, 1]} : vector<200x128xf32> to vector<199x128xf32>
    %concatenate3A = tpu.concatenate %broadcast_in_dim3A_24, %slice3A in 0 : vector<1x128xf32>, vector<199x128xf32> -> vector<200x128xf32>
    %add3A = arith.addf %dot_general3A_16, %concatenate3A : vector<200x128xf32>
    %slice3A_25 = vector.extract_strided_slice %dot_general3A_23 {offsets = [1, 0], sizes = [199, 128], strides = [1, 1]} : vector<200x128xf32> to vector<199x128xf32>
    %concatenate3A_26 = tpu.concatenate %slice3A_25, %broadcast_in_dim3A_24 in 0 : vector<199x128xf32>, vector<1x128xf32> -> vector<200x128xf32>
    %add3A_27 = arith.addf %add3A, %concatenate3A_26 : vector<200x128xf32>
    %get3A_28 = arith.constant 0 : index
    %get3A_29 = arith.constant 0 : index
    %get3A_30 = vector.load %arg8[%get3A_28, %get3A_29] : memref<1x128xf32, #tpu.memory_space<vmem>>, vector<1x128xf32>
    %add3A_31 = vector.broadcast %get3A_30 : vector<1x128xf32> to vector<200x128xf32>
    %add3A_32 = arith.addf %add3A_27, %add3A_31 : vector<200x128xf32>
    %max3A = arith.constant 0.000000e+00 : f32
    %max3A_33 = vector.broadcast %max3A : f32 to vector<200x128xf32>
    %max3A_34 = arith.maximumf %add3A_32, %max3A_33 : vector<200x128xf32>
    %swap3A = arith.constant 0 : index
    %swap3A_35 = arith.constant 0 : index
    %swap3A_36 = arith.constant 0 : index
    %swap3A_37 = vector.load %arg14[%swap3A, %swap3A_35, %swap3A_36] : memref<1x200x128xf32, #tpu.memory_space<vmem>>, vector<1x200x128xf32>
    %swap3A_38 = vector.shape_cast %swap3A_37 : vector<1x200x128xf32> to vector<200x128xf32>
    %swap3A_39 = vector.shape_cast %max3A_34 : vector<200x128xf32> to vector<1x200x128xf32>
    tpu.vector_store %arg14[%swap3A, %swap3A_35, %swap3A_36], %swap3A_39 {strides = array<i32>} : memref<1x200x128xf32, #tpu.memory_space<vmem>>, vector<1x200x128xf32>,
    %get3A_40 = arith.constant 0 : index
    %get3A_41 = arith.constant 0 : index
    %get3A_42 = vector.load %arg2[%get3A_40, %get3A_41] : memref<2048x128xf32, #tpu.memory_space<vmem>>, vector<2048x128xf32>
    %get3A_43 = arith.constant 0 : index
    %get3A_44 = arith.constant 0 : index
    %get3A_45 = vector.load %arg3[%get3A_43, %get3A_44] : memref<2048x128xf32, #tpu.memory_space<vmem>>, vector<2048x128xf32>
    %dot_general3A_46 = arith.constant dense<0.000000e+00> : vector<200x2048xf32>
    %dot_general3A_47 = tpu.matmul %max3A_34, %get3A_42, %dot_general3A_46 {dimension_numbers = #tpu.dot_dimension_numbers<[1], [1], [0], [0], [0, 0, 1, 0], [], []>, transpose_lhs_hint = false} : vector<200x128xf32>, vector<2048x128xf32>, vector<200x2048xf32> -> vector<200x2048xf32>
    %dot_general3A_48 = arith.constant dense<0.000000e+00> : vector<200x2048xf32>
    %dot_general3A_49 = tpu.matmul %max3A_34, %get3A_45, %dot_general3A_48 {dimension_numbers = #tpu.dot_dimension_numbers<[1], [1], [0], [0], [0, 0, 1, 0], [], []>, transpose_lhs_hint = false} : vector<200x128xf32>, vector<2048x128xf32>, vector<200x2048xf32> -> vector<200x2048xf32>
    %reduce_max3A = arith.constant dense<0xFF800000> : vector<200xf32>
    %reduce_max3A_50 = vector.multi_reduction <maximumf>, %dot_general3A_47, %reduce_max3A [1] : vector<200x2048xf32> to vector<200xf32>
    %broadcast_in_dim3A_51 = vector.shape_cast %reduce_max3A_50 : vector<200xf32> to vector<200x1xf32>
    %reduce_max3A_52 = arith.constant dense<0xFF800000> : vector<200xf32>
    %reduce_max3A_53 = vector.multi_reduction <maximumf>, %dot_general3A_49, %reduce_max3A_52 [1] : vector<200x2048xf32> to vector<200xf32>
    %broadcast_in_dim3A_54 = vector.shape_cast %reduce_max3A_53 : vector<200xf32> to vector<200x1xf32>
    %ge3A = vector.broadcast %broadcast_in_dim3A_51 : vector<200x1xf32> to vector<200x2048xf32>
    %ge3A_55 = arith.cmpf oge, %dot_general3A_47, %ge3A : vector<200x2048xf32>
    %jit3A = arith.constant 1.000000e+00 : f32
    %jit3A_56 = arith.constant 0.000000e+00 : f32
    %broadcast_in_dim3A_57 = vector.broadcast %jit3A : f32 to vector<200x2048xf32>
    %broadcast_in_dim3A_58 = vector.broadcast %jit3A_56 : f32 to vector<200x2048xf32>
    %select_n3A = arith.select %ge3A_55, %broadcast_in_dim3A_57, %broadcast_in_dim3A_58 : vector<200x2048xi1>, vector<200x2048xf32>
    %convert_element_type3A = arith.truncf %select_n3A : vector<200x2048xf32> to vector<200x2048xbf16>
    %ge3A_59 = vector.broadcast %broadcast_in_dim3A_54 : vector<200x1xf32> to vector<200x2048xf32>
    %ge3A_60 = arith.cmpf oge, %dot_general3A_49, %ge3A_59 : vector<200x2048xf32>
    %jit3A_61 = arith.constant 1.000000e+00 : f32
    %jit3A_62 = arith.constant 0.000000e+00 : f32
    %broadcast_in_dim3A_63 = vector.broadcast %jit3A_61 : f32 to vector<200x2048xf32>
    %broadcast_in_dim3A_64 = vector.broadcast %jit3A_62 : f32 to vector<200x2048xf32>
    %select_n3A_65 = arith.select %ge3A_60, %broadcast_in_dim3A_63, %broadcast_in_dim3A_64 : vector<200x2048xi1>, vector<200x2048xf32>
    %convert_element_type3A_66 = arith.truncf %select_n3A_65 : vector<200x2048xf32> to vector<200x2048xbf16>
    %get3A_67 = arith.constant 0 : index
    %get3A_68 = arith.constant 0 : index
    %get3A_69 = vector.load %arg6[%get3A_67, %get3A_68] : memref<2x2048xbf16, #tpu.memory_space<vmem>>, vector<2x2048xbf16>
    %dot_general3A_70 = arith.constant dense<0.000000e+00> : vector<200x2xf32>
    %dot_general3A_71 = tpu.matmul %convert_element_type3A, %get3A_69, %dot_general3A_70 {dimension_numbers = #tpu.dot_dimension_numbers<[1], [1], [0], [0], [0, 0, 1, 0], [], []>, transpose_lhs_hint = false} : vector<200x2048xbf16>, vector<2x2048xbf16>, vector<200x2xf32> -> vector<200x2xf32>
    %dot_general3A_72 = arith.constant dense<0.000000e+00> : vector<200x2xf32>
    %dot_general3A_73 = tpu.matmul %convert_element_type3A_66, %get3A_69, %dot_general3A_72 {dimension_numbers = #tpu.dot_dimension_numbers<[1], [1], [0], [0], [0, 0, 1, 0], [], []>, transpose_lhs_hint = false} : vector<200x2048xbf16>, vector<2x2048xbf16>, vector<200x2xf32> -> vector<200x2xf32>
    %slice3A_74 = vector.extract_strided_slice %dot_general3A_71 {offsets = [0, 0], sizes = [200, 1], strides = [1, 1]} : vector<200x2xf32> to vector<200x1xf32>
    %mul3A = arith.constant 1.280000e+02 : f32
    %mul3A_75 = vector.broadcast %mul3A : f32 to vector<200x1xf32>
    %mul3A_76 = arith.mulf %mul3A_75, %slice3A_74 : vector<200x1xf32>
    %slice3A_77 = vector.extract_strided_slice %dot_general3A_71 {offsets = [0, 1], sizes = [200, 1], strides = [1, 1]} : vector<200x2xf32> to vector<200x1xf32>
    %add3A_78 = arith.addf %mul3A_76, %slice3A_77 : vector<200x1xf32>
    %slice3A_79 = vector.extract_strided_slice %dot_general3A_73 {offsets = [0, 0], sizes = [200, 1], strides = [1, 1]} : vector<200x2xf32> to vector<200x1xf32>
    %mul3A_80 = arith.constant 1.280000e+02 : f32
    %mul3A_81 = vector.broadcast %mul3A_80 : f32 to vector<200x1xf32>
    %mul3A_82 = arith.mulf %mul3A_81, %slice3A_79 : vector<200x1xf32>
    %slice3A_83 = vector.extract_strided_slice %dot_general3A_73 {offsets = [0, 1], sizes = [200, 1], strides = [1, 1]} : vector<200x2xf32> to vector<200x1xf32>
    %add3A_84 = arith.addf %mul3A_82, %slice3A_83 : vector<200x1xf32>
    %jit3A_85 = arith.constant 0.000000e+00 : f32
    %jit3A_86 = arith.constant 2.047000e+03 : f32
    %max3A_87 = vector.broadcast %jit3A_85 : f32 to vector<200x1xf32>
    %max3A_88 = arith.maximumf %max3A_87, %add3A_78 : vector<200x1xf32>
    %min3A = vector.broadcast %jit3A_86 : f32 to vector<200x1xf32>
    %min3A_89 = arith.minimumf %min3A, %max3A_88 : vector<200x1xf32>
    %convert_element_type3A_90 = arith.fptosi %min3A_89 : vector<200x1xf32> to vector<200x1xi32>
    %jit3A_91 = arith.constant 0.000000e+00 : f32
    %jit3A_92 = arith.constant 2.047000e+03 : f32
    %max3A_93 = vector.broadcast %jit3A_91 : f32 to vector<200x1xf32>
    %max3A_94 = arith.maximumf %max3A_93, %add3A_84 : vector<200x1xf32>
    %min3A_95 = vector.broadcast %jit3A_92 : f32 to vector<200x1xf32>
    %min3A_96 = arith.minimumf %min3A_95, %max3A_94 : vector<200x1xf32>
    %convert_element_type3A_97 = arith.fptosi %min3A_96 : vector<200x1xf32> to vector<200x1xi32>
    %max3A_98 = arith.maximumf %broadcast_in_dim3A_51, %broadcast_in_dim3A_54 : vector<200x1xf32>
    %sub3A = vector.broadcast %max3A_98 : vector<200x1xf32> to vector<200x2048xf32>
    %sub3A_99 = arith.subf %dot_general3A_47, %sub3A : vector<200x2048xf32>
    %exp3A = math.exp %sub3A_99 : vector<200x2048xf32>
    %convert_element_type3A_100 = arith.truncf %exp3A : vector<200x2048xf32> to vector<200x2048xbf16>
    %sub3A_101 = vector.broadcast %max3A_98 : vector<200x1xf32> to vector<200x2048xf32>
    %sub3A_102 = arith.subf %dot_general3A_49, %sub3A_101 : vector<200x2048xf32>
    %exp3A_103 = math.exp %sub3A_102 : vector<200x2048xf32>
    %convert_element_type3A_104 = arith.truncf %exp3A_103 : vector<200x2048xf32> to vector<200x2048xbf16>
    %get3A_105 = arith.constant 0 : index
    %get3A_106 = arith.constant 0 : index
    %get3A_107 = vector.load %arg4[%get3A_105, %get3A_106] : memref<2048x129xbf16, #tpu.memory_space<vmem>>, vector<2048x129xbf16>
    %dot_general3A_108 = arith.constant dense<0.000000e+00> : vector<200x129xf32>
    %dot_general3A_109 = tpu.matmul %convert_element_type3A_100, %get3A_107, %dot_general3A_108 {dimension_numbers = #tpu.dot_dimension_numbers<[1], [0], [0], [1], [0, 0, 1, 1], [], []>, transpose_lhs_hint = false} : vector<200x2048xbf16>, vector<2048x129xbf16>, vector<200x129xf32> -> vector<200x129xf32>
    %get3A_110 = arith.constant 0 : index
    %get3A_111 = arith.constant 0 : index
    %get3A_112 = vector.load %arg5[%get3A_110, %get3A_111] : memref<2048x129xbf16, #tpu.memory_space<vmem>>, vector<2048x129xbf16>
    %dot_general3A_113 = arith.constant dense<0.000000e+00> : vector<200x129xf32>
    %dot_general3A_114 = tpu.matmul %convert_element_type3A_104, %get3A_112, %dot_general3A_113 {dimension_numbers = #tpu.dot_dimension_numbers<[1], [0], [0], [1], [0, 0, 1, 1], [], []>, transpose_lhs_hint = false} : vector<200x2048xbf16>, vector<2048x129xbf16>, vector<200x129xf32> -> vector<200x129xf32>
    %slice3A_115 = vector.extract_strided_slice %dot_general3A_109 {offsets = [0, 128], sizes = [200, 1], strides = [1, 1]} : vector<200x129xf32> to vector<200x1xf32>
    %slice3A_116 = vector.extract_strided_slice %dot_general3A_114 {offsets = [0, 128], sizes = [200, 1], strides = [1, 1]} : vector<200x129xf32> to vector<200x1xf32>
    %add3A_117 = arith.addf %slice3A_115, %slice3A_116 : vector<200x1xf32>
    %slice3A_118 = vector.extract_strided_slice %dot_general3A_109 {offsets = [0, 0], sizes = [200, 128], strides = [1, 1]} : vector<200x129xf32> to vector<200x128xf32>
    %slice3A_119 = vector.extract_strided_slice %dot_general3A_114 {offsets = [0, 0], sizes = [200, 128], strides = [1, 1]} : vector<200x129xf32> to vector<200x128xf32>
    %add3A_120 = arith.addf %slice3A_118, %slice3A_119 : vector<200x128xf32>
    %div3A = vector.broadcast %add3A_117 : vector<200x1xf32> to vector<200x128xf32>
    %div3A_121 = arith.divf %add3A_120, %div3A : vector<200x128xf32>
    %get3A_122 = arith.constant 0 : index
    %get3A_123 = arith.constant 0 : index
    %get3A_124 = vector.load %arg9[%get3A_122, %get3A_123] : memref<1x128xf32, #tpu.memory_space<vmem>>, vector<1x128xf32>
    %mul3A_125 = vector.broadcast %get3A_124 : vector<1x128xf32> to vector<200x128xf32>
    %mul3A_126 = arith.mulf %max3A_34, %mul3A_125 : vector<200x128xf32>
    %reduce_sum3A = arith.constant dense<0.000000e+00> : vector<200xf32>
    %reduce_sum3A_127 = vector.multi_reduction <add>, %mul3A_126, %reduce_sum3A [1] : vector<200x128xf32> to vector<200xf32>
    %broadcast_in_dim3A_128 = vector.shape_cast %reduce_sum3A_127 : vector<200xf32> to vector<200x1xf32>
    %get3A_129 = arith.constant 0 : index
    %get3A_130 = arith.constant 0 : index
    %get3A_131 = vector.load %arg10[%get3A_129, %get3A_130] : memref<1x1xf32, #tpu.memory_space<vmem>>, vector<1x1xf32>
    %add3A_132 = vector.broadcast %get3A_131 : vector<1x1xf32> to vector<200x1xf32>
    %add3A_133 = arith.addf %broadcast_in_dim3A_128, %add3A_132 : vector<200x1xf32>
    %neg3A = arith.constant 0.000000e+00 : f32
    %neg3A_134 = vector.broadcast %neg3A : f32 to vector<200x1xf32>
    %neg3A_135 = arith.subf %neg3A_134, %add3A_133 : vector<200x1xf32>
    %exp3A_136 = math.exp %neg3A_135 : vector<200x1xf32>
    %add3A_137 = arith.constant 1.000000e+00 : f32
    %add3A_138 = vector.broadcast %add3A_137 : f32 to vector<200x1xf32>
    %add3A_139 = arith.addf %add3A_138, %exp3A_136 : vector<200x1xf32>
    %div3A_140 = arith.constant 1.000000e+00 : f32
    %div3A_141 = vector.broadcast %div3A_140 : f32 to vector<200x1xf32>
    %div3A_142 = arith.divf %div3A_141, %add3A_139 : vector<200x1xf32>
    %get3A_143 = arith.constant 0 : index
    %get3A_144 = arith.constant 0 : index
    %get3A_145 = vector.load %arg11[%get3A_143, %get3A_144] : memref<1x128xf32, #tpu.memory_space<vmem>>, vector<1x128xf32>
    %mul3A_146 = vector.broadcast %get3A_145 : vector<1x128xf32> to vector<200x128xf32>
    %mul3A_147 = arith.mulf %max3A_34, %mul3A_146 : vector<200x128xf32>
    %reduce_sum3A_148 = arith.constant dense<0.000000e+00> : vector<200xf32>
    %reduce_sum3A_149 = vector.multi_reduction <add>, %mul3A_147, %reduce_sum3A_148 [1] : vector<200x128xf32> to vector<200xf32>
    %broadcast_in_dim3A_150 = vector.shape_cast %reduce_sum3A_149 : vector<200xf32> to vector<200x1xf32>
    %get3A_151 = arith.constant 0 : index
    %get3A_152 = arith.constant 0 : index
    %get3A_153 = vector.load %arg12[%get3A_151, %get3A_152] : memref<1x128xf32, #tpu.memory_space<vmem>>, vector<1x128xf32>
    %mul3A_154 = vector.broadcast %get3A_153 : vector<1x128xf32> to vector<200x128xf32>
    %mul3A_155 = arith.mulf %div3A_121, %mul3A_154 : vector<200x128xf32>
    %reduce_sum3A_156 = arith.constant dense<0.000000e+00> : vector<200xf32>
    %reduce_sum3A_157 = vector.multi_reduction <add>, %mul3A_155, %reduce_sum3A_156 [1] : vector<200x128xf32> to vector<200xf32>
    %broadcast_in_dim3A_158 = vector.shape_cast %reduce_sum3A_157 : vector<200xf32> to vector<200x1xf32>
    %add3A_159 = arith.addf %broadcast_in_dim3A_150, %broadcast_in_dim3A_158 : vector<200x1xf32>
    %get3A_160 = arith.constant 0 : index
    %get3A_161 = arith.constant 0 : index
    %get3A_162 = vector.load %arg13[%get3A_160, %get3A_161] : memref<1x1xf32, #tpu.memory_space<vmem>>, vector<1x1xf32>
    %add3A_163 = vector.broadcast %get3A_162 : vector<1x1xf32> to vector<200x1xf32>
    %add3A_164 = arith.addf %add3A_159, %add3A_163 : vector<200x1xf32>
    %neg3A_165 = arith.constant 0.000000e+00 : f32
    %neg3A_166 = vector.broadcast %neg3A_165 : f32 to vector<200x1xf32>
    %neg3A_167 = arith.subf %neg3A_166, %add3A_164 : vector<200x1xf32>
    %exp3A_168 = math.exp %neg3A_167 : vector<200x1xf32>
    %add3A_169 = arith.constant 1.000000e+00 : f32
    %add3A_170 = vector.broadcast %add3A_169 : f32 to vector<200x1xf32>
    %add3A_171 = arith.addf %add3A_170, %exp3A_168 : vector<200x1xf32>
    %div3A_172 = arith.constant 1.000000e+00 : f32
    %div3A_173 = vector.broadcast %div3A_172 : f32 to vector<200x1xf32>
    %div3A_174 = arith.divf %div3A_173, %add3A_171 : vector<200x1xf32>
    %mul3A_175 = arith.mulf %max3A_34, %max3A_34 : vector<200x128xf32>
    %reduce_sum3A_176 = arith.constant dense<0.000000e+00> : vector<200xf32>
    %reduce_sum3A_177 = vector.multi_reduction <add>, %mul3A_175, %reduce_sum3A_176 [1] : vector<200x128xf32> to vector<200xf32>
    %broadcast_in_dim3A_178 = vector.shape_cast %reduce_sum3A_177 : vector<200xf32> to vector<200x1xf32>
    %bitcast_convert_type3A = tpu.bitcast %convert_element_type3A_90 : vector<200x1xi32> -> vector<200x1xf32>
    %bitcast_convert_type3A_179 = tpu.bitcast %convert_element_type3A_97 : vector<200x1xi32> -> vector<200x1xf32>
    %broadcast_in_dim3A_180 = arith.constant 0.000000e+00 : f32
    %broadcast_in_dim3A_181 = vector.broadcast %broadcast_in_dim3A_180 : f32 to vector<200x1xf32>
    %concatenate3A_182 = tpu.concatenate %div3A_142, %div3A_174, %broadcast_in_dim3A_51, %broadcast_in_dim3A_54, %broadcast_in_dim3A_178, %bitcast_convert_type3A, %bitcast_convert_type3A_179, %broadcast_in_dim3A_181 in 1 : vector<200x1xf32>, vector<200x1xf32>, vector<200x1xf32>, vector<200x1xf32>, vector<200x1xf32>, vector<200x1xf32>, vector<200x1xf32>, vector<200x1xf32> -> vector<200x8xf32>
    %swap3A_183 = arith.constant 0 : index
    %swap3A_184 = arith.constant 0 : index
    %swap3A_185 = arith.constant 0 : index
    %swap3A_186 = vector.load %arg15[%swap3A_183, %swap3A_184, %swap3A_185] : memref<1x200x8xf32, #tpu.memory_space<vmem>>, vector<1x200x8xf32>
    %swap3A_187 = vector.shape_cast %swap3A_186 : vector<1x200x8xf32> to vector<200x8xf32>
    %swap3A_188 = vector.shape_cast %concatenate3A_182 : vector<200x8xf32> to vector<1x200x8xf32>
    tpu.vector_store %arg15[%swap3A_183, %swap3A_184, %swap3A_185], %swap3A_188 {strides = array<i32>} : memref<1x200x8xf32, #tpu.memory_space<vmem>>, vector<1x200x8xf32>,
    return
  }
  func.func @transform_0(%arg0: i32) -> (i32, i32, i32) {
    %c0_i32 = arith.constant 0 : i32
    %c0_i32_0 = arith.constant 0 : i32
    %c0_i32_1 = arith.constant 0 : i32
    return %arg0, %c0_i32, %c0_i32_0 : i32, i32, i32
  }
  func.func @transform_1(%arg0: i32) -> (i32, i32) {
    %c0_i32 = arith.constant 0 : i32
    %c0_i32_0 = arith.constant 0 : i32
    %c0_i32_1 = arith.constant 0 : i32
    return %c0_i32, %c0_i32_0 : i32, i32
  }
  func.func @transform_2(%arg0: i32) -> (i32, i32) {
    %c0_i32 = arith.constant 0 : i32
    %c0_i32_0 = arith.constant 0 : i32
    %c0_i32_1 = arith.constant 0 : i32
    return %c0_i32, %c0_i32_0 : i32, i32
  }
  func.func @transform_3(%arg0: i32) -> (i32, i32) {
    %c0_i32 = arith.constant 0 : i32
    %c0_i32_0 = arith.constant 0 : i32
    %c0_i32_1 = arith.constant 0 : i32
    return %c0_i32, %c0_i32_0 : i32, i32
  }
  func.func @transform_4(%arg0: i32) -> (i32, i32) {
    %c0_i32 = arith.constant 0 : i32
    %c0_i32_0 = arith.constant 0 : i32
    %c0_i32_1 = arith.constant 0 : i32
    return %c0_i32, %c0_i32_0 : i32, i32
  }
  func.func @transform_5(%arg0: i32) -> (i32, i32) {
    %c0_i32 = arith.constant 0 : i32
    %c0_i32_0 = arith.constant 0 : i32
    %c0_i32_1 = arith.constant 0 : i32
    return %c0_i32, %c0_i32_0 : i32, i32
  }
  func.func @transform_6(%arg0: i32) -> (i32, i32, i32) {
    %c0_i32 = arith.constant 0 : i32
    %c0_i32_0 = arith.constant 0 : i32
    %c0_i32_1 = arith.constant 0 : i32
    %c0_i32_2 = arith.constant 0 : i32
    return %c0_i32, %c0_i32_0, %c0_i32_1 : i32, i32, i32
  }
  func.func @transform_7(%arg0: i32) -> (i32, i32) {
    %c0_i32 = arith.constant 0 : i32
    %c0_i32_0 = arith.constant 0 : i32
    %c0_i32_1 = arith.constant 0 : i32
    return %c0_i32, %c0_i32_0 : i32, i32
  }
  func.func @transform_8(%arg0: i32) -> (i32, i32) {
    %c0_i32 = arith.constant 0 : i32
    %c0_i32_0 = arith.constant 0 : i32
    %c0_i32_1 = arith.constant 0 : i32
    return %c0_i32, %c0_i32_0 : i32, i32
  }
  func.func @transform_9(%arg0: i32) -> (i32, i32) {
    %c0_i32 = arith.constant 0 : i32
    %c0_i32_0 = arith.constant 0 : i32
    %c0_i32_1 = arith.constant 0 : i32
    return %c0_i32, %c0_i32_0 : i32, i32
  }
  func.func @transform_10(%arg0: i32) -> (i32, i32) {
    %c0_i32 = arith.constant 0 : i32
    %c0_i32_0 = arith.constant 0 : i32
    %c0_i32_1 = arith.constant 0 : i32
    return %c0_i32, %c0_i32_0 : i32, i32
  }
  func.func @transform_11(%arg0: i32) -> (i32, i32) {
    %c0_i32 = arith.constant 0 : i32
    %c0_i32_0 = arith.constant 0 : i32
    %c0_i32_1 = arith.constant 0 : i32
    return %c0_i32, %c0_i32_0 : i32, i32
  }
  func.func @transform_12(%arg0: i32) -> (i32, i32) {
    %c0_i32 = arith.constant 0 : i32
    %c0_i32_0 = arith.constant 0 : i32
    %c0_i32_1 = arith.constant 0 : i32
    return %c0_i32, %c0_i32_0 : i32, i32
  }
  func.func @transform_13(%arg0: i32) -> (i32, i32, i32) {
    %c0_i32 = arith.constant 0 : i32
    %c0_i32_0 = arith.constant 0 : i32
    %c0_i32_1 = arith.constant 0 : i32
    return %arg0, %c0_i32, %c0_i32_0 : i32, i32, i32
  }
  func.func @transform_14(%arg0: i32) -> (i32, i32, i32) {
    %c0_i32 = arith.constant 0 : i32
    %c0_i32_0 = arith.constant 0 : i32
    %c0_i32_1 = arith.constant 0 : i32
    return %arg0, %c0_i32, %c0_i32_0 : i32, i32, i32
  }
}

</mosaic_0001>

<sc_bundles>
// kernel: kernel.4.cloned.1.call-start
scs
__scs_entry_jumppad:
0x0: {  	(pc) =	sbr.rel $0x88, $3  }
0x1: {  	(tag) =	ssettag $0x0;
	lr =	simm.s32 $0x1  }
0x2: {  	[smem:$0x3F98] =	sst lr;
	_ =	strace $0xD0000000  }
0x3: {  	_ = 	snop  }
0x4: {  	_ = 	snop  }
0x5: {  	_ = 	snop  }
0x6: {  	_ = 	snop  }
0x7: {  	_ = 	snop  }
__scs_overlays_trampoline_lowered:
0x8: {  	[smem:$0x3FA7] =	sst s0  }
0x9: {  	[smem:$0x3FA8] =	sst s1  }
0xa: {  	[smem:$0x3FA9] =	sst s2  }
0xb: {  	[smem:$0x3FAA] =	sst s3  }
0xc: {  	[smem:$0x3FAB] =	sst s4  }
0xd: {  	[smem:$0x3FAC] =	sst s5  }
0xe: {  	[smem:$0x3FAD] =	sst s6  }
0xf: {  	[smem:$0x3FAE] =	sst s7  }
0x10: {  	[smem:$0x3FAF] =	sst s8  }
0x11: {  	[smem:$0x3FB0] =	sst s9;
	s0 =	simm.s32 @!p0 $0x0  }
0x12: {  	s1 =	sld [smem:$0x3F96];
	s0 =	simm.s32 @p0 $0x1  }
0x13: {  	[smem:$0x3FB1] =	sst s0;
	s0 =	simm.s32 @!p1 $0x0  }
0x14: {  	s2 =	sld [smem:$0x3F95];
	s0 =	simm.s32 @p1 $0x1  }
0x15: {  	[smem:$0x3FB2] =	sst s0;
	s0 =	simm.s32 @!p2 $0x0  }
0x16: {  	s3 =	sld [smem:$0x3FDB];
	s0 =	simm.s32 @p2 $0x1  }
0x17: {  	s4 =	simm.s32 $0x1BF5;
	[smem:$0x3FB4] =	sst s0  }
0x18: {  	s0 =	sld [smem:$0x3F97];
	_ =	swait.ge [sflag:s4], $0x0  }
0x19: {  	s7 =	sld [smem:$0x3F98]  }
0x1a: {  	s8 =	sadd.s32 $0xFFFFE003, lr  }
0x1b: {  	s9 =	sadd.s32 $0xFFFFFEF7, lr;
	s5 =	simm.s32 $0xFFFFFFFF;
	p2 =	slt.u32 s8, $0xFFFFF086  }
0x1c: {  	p1 =	slt.u32 s9, $0xF7A;
	s5 =	simm.s32 @!p2 $0x0  }
0x1d: {  	s5 =	simm.s32 @p1 $0x1;
	p0 =	seq.s32 s7, s2  }
0x1e: {  	s7 =	smul.u32 @!p0 $0xF7A, s2;
	p2 =	seq.s32 @!p0 s5, $0x0  }
0x1f: {  	s9 =	smul.u32 $0xF7A, s1;
	s8 =	simm.s32 @!p0 $0x1BF5;
	p2 =	por !p2, p0  }
0x20: {  	[sflag:s8] =	ssyncset.s32 @!p0 $0xFFFFF086;
	s6 =	sadd.s32 @!p0 s3, s7;
	s7 =	simm.s32 @!p0 $0x108  }
0x21: {  	s3 =	sadd.s32 s3, s9;
	s6 =	sadd.s32 @!p0 $0x88, s6;
	s7 =	simm.s32 @p2 $0x1082  }
0x22: {  	[simem:s7], [sflag:s8] =	dma.local @!p0 [hbm:s6], $0xF7A  }
0x23: {  	s9 =	sor.u32 $0xD0000000, s2;
	s6 =	simm.s32 $0x108;
	_ =	swait.ge @!p0 [sflag:s8], $0x0  }
0x24: {  	s3 =	sadd.s32 $0x88, s3;
	s6 =	simm.s32 @!p1 $0x1082;
	[sflag:s4] =	ssyncset.s32 $0xFFFFF086  }
0x25: {  	[simem:s6], [sflag:s4] =	dma.local [hbm:s3], $0xF7A  }
0x26: {  	[smem:$0x3F98] =	sst s1;
	(tag) =	ssettag s2;
	_ =	strace s9  }
0x27: {  	s1 =	sld [smem:$0x3FA8]  }
0x28: {  	s2 =	sld [smem:$0x3FA9]  }
0x29: {  	s4 =	sld [smem:$0x3FAB]  }
0x2a: {  	p0 =	seq.s32 s5, $0x0;
	s5 =	sld [smem:$0x3FAC]  }
0x2b: {  	s6 =	sld [smem:$0x3FAD]  }
0x2c: {  	s7 =	sld [smem:$0x3FAE]  }
0x2d: {  	s3 =	simm.s32 $0x108;
	s8 =	sld [smem:$0x3FAF]  }
0x2e: {  	s3 =	simm.s32 @!p0 $0x1082;
	s9 =	sld [smem:$0x3FB0]  }
0x2f: {  	lr =	sadd.s32 s0, s3;
	s0 =	sld [smem:$0x3FA7]  }
0x30: {  	s3 =	sld [smem:$0x3FAA]  }
0x31: {  	[smem:$0x3FB3] =	sst s10  }
0x32: {  	s10 =	sld [smem:$0x3FB1];
	_ =	sdelay $0x3  }
0x33: {  	p0 =	seq.s32 s10, $0x1;
	s10 =	sld [smem:$0x3FB3];
	_ =	sdelay $0x3  }
0x34: {  	[smem:$0x3FB3] =	sst s10  }
0x35: {  	s10 =	sld [smem:$0x3FB2];
	_ =	sdelay $0x3  }
0x36: {  	p1 =	seq.s32 s10, $0x1;
	s10 =	sld [smem:$0x3FB3];
	_ =	sdelay $0x3  }
0x37: {  	[smem:$0x3FB3] =	sst s10  }
0x38: {  	s10 =	sld [smem:$0x3FB4]  }
0x39: {  	_ = 	snop;
	(pc) =	sbr.ind lr, $3  }
0x3a: {  	_ = 	snop  }
0x3b: {  	_ = 	snop  }
0x3c: {  	p2 =	seq.s32 s10, $0x1;
	s10 =	sld [smem:$0x3FB3]  }
0x3d: {  	_ =	shalt  }
0x3e: {  	_ =	shalt  }
0x3f: {  	_ =	shalt  }
0x40: {  	_ =	shalt  }
0x41: {  	_ =	shalt  }
0x42: {  	_ =	shalt  }
0x43: {  	_ =	shalt  }
0x44: {  	_ =	shalt  }
0x45: {  	_ =	shalt  }
0x46: {  	_ =	shalt  }
0x47: {  	_ =	shalt  }
0x48: {  	_ =	shalt  }
0x49: {  	_ =	shalt  }
0x4a: {  	_ =	shalt  }
0x4b: {  	_ =	shalt  }
0x4c: {  	_ =	shalt  }
0x4d: {  	_ =	shalt  }
0x4e: {  	_ =	shalt  }
0x4f: {  	_ =	shalt  }
0x50: {  	_ =	shalt  }
0x51: {  	_ =	shalt  }
0x52: {  	_ =	shalt  }
0x53: {  	_ =	shalt  }
0x54: {  	_ =	shalt  }
0x55: {  	_ =	shalt  }
0x56: {  	_ =	shalt  }
0x57: {  	_ =	shalt  }
0x58: {  	_ =	shalt  }
0x59: {  	_ =	shalt  }
0x5a: {  	_ =	shalt  }
0x5b: {  	_ =	shalt  }
0x5c: {  	_ =	shalt  }
0x5d: {  	_ =	shalt  }
0x5e: {  	_ =	shalt  }
0x5f: {  	_ =	shalt  }
0x60: {  	_ =	shalt  }
0x61: {  	_ =	shalt  }
0x62: {  	_ =	shalt  }
0x63: {  	_ =	shalt  }
0x64: {  	_ =	shalt  }
0x65: {  	_ =	shalt  }
0x66: {  	_ =	shalt  }
0x67: {  	_ =	shalt  }
0x68: {  	_ =	shalt  }
0x69: {  	_ =	shalt  }
0x6a: {  	_ =	shalt  }
0x6b: {  	_ =	shalt  }
0x6c: {  	_ =	shalt  }
0x6d: {  	_ =	shalt  }
0x6e: {  	_ =	shalt  }
0x6f: {  	_ =	shalt  }
0x70: {  	_ =	shalt  }
0x71: {  	_ =	shalt  }
0x72: {  	_ =	shalt  }
0x73: {  	_ =	shalt  }
0x74: {  	_ =	shalt  }
0x75: {  	_ =	shalt  }
0x76: {  	_ =	shalt  }
0x77: {  	_ =	shalt  }
0x78: {  	_ =	shalt  }
0x79: {  	_ =	shalt  }
0x7a: {  	_ =	shalt  }
0x7b: {  	_ =	shalt  }
0x7c: {  	_ =	shalt  }
0x7d: {  	_ =	shalt  }
0x7e: {  	_ =	shalt  }
0x7f: {  	_ =	shalt  }
0x80: {  	_ =	shalt  }
0x81: {  	_ =	shalt  }
0x82: {  	_ =	shalt  }
0x83: {  	_ =	shalt  }
0x84: {  	_ =	shalt  }
0x85: {  	_ =	shalt  }
0x86: {  	_ =	shalt  }
0x87: {  	_ =	shalt  }
.Lfunc_end0:
.L_simem_size_0:
called_computation_lowered:
.L_overlay_start_0:
0x88: {  	s2 =	sld [smem:$0x3FD9]  }
0x89: {  	s3 =	sld [smem:$0x3FFE];
	_ =	sdelay $0x1  }
0x8a: {  	s1 =	srdreg.scid  }
0x8b: {  	s0 =	sand.u32 $0x1, s1  }
0x8c: {  	s14 =	sshll.u32 s0, $0xA;
	s2 =	sadd.s32 s3, s2  }
0x8d: {  	s2 =	sadd.s32 s2, s14  }
0x8e: {  	[smem:$0x3FBF] =	sst s2  }
0x8f: {  	_ = 	snop  }
0x90: {  	s2 =	sld [smem:$0x3FD0];
	_ =	sdelay $0x2  }
0x91: {  	s15 =	simm.s32 $0xA;
	s4 =	simm.s32 $0x10  }
0x92: {  	[smem:s4], [sflag:s15] =	dma.local [hbm:s2], $0x1  }
0x93: {  	_ =	swait.eq [sflag:s15], $0x1  }
0x94: {  	[sflag:s15] =	ssyncset.done $0x0  }
0x95: {  	s16 =	sld [smem:$0x12];
	[sflag:s15] =	ssyncadd.s32 $0xFFFFFFFF  }
0x96: {  	s17 =	sld [smem:$0x13];
	(tm) =	ssettm $0x1  }
0x97: {  	s18 =	sld [smem:$0x3FFB];
	_ =	sdelay $0x3  }
0x98: {  	_ =	strace s18  }
0x99: {  	s4 =	sld [smem:$0x3FFC];
	_ =	sdelay $0x3  }
0x9a: {  	_ =	strace s4  }
0x9b: {  	s4 =	sld [smem:$0x3FFD];
	_ =	sdelay $0x3  }
0x9c: {  	_ =	strace s4  }
0x9d: {  	_ =	strace $0x8FFFFFFF  }
0x9e: {  	s19 =	sld [smem:$0x3FDB];
	_ =	sdelay $0x1  }
0x9f: {  	s5 =	simm.s32 $_scs_section_size  }
0xa0: {  	s6 =	simm.s32 $_size__tile_overlayer_lowered;
	s7 =	simm.s32 $_tile_overlayer_lowered  }
0xa1: {  	s22 =	simm.s32 $0x1BFF;
	s21 =	sshll.u32 s7, $0x1;
	s4 =	sadd.s32 s5, s19  }
0xa2: {  	s8 =	simm.s32 $0x0;
	s20 =	sshll.u32 s6, $0x1;
	s6 =	sadd.s32 s21, s4  }
0xa3: {  	[timem:s8], [sflag:s22] =	dma.local [hbm:s6], s20  }
0xa4: {  	_ =	swait.ge [sflag:s22], s20  }
0xa5: {  	s5 =	ssub.s32 $0x0, s20;
	[sflag:s22] =	ssyncset.done $0x0  }
0xa6: {  	[sflag:s22] =	ssyncadd.s32 s5;
	_ =	sdelay $0x1  }
0xa7: {  	s23 =	simm.s32 $0x1B8B  }
0xa8: {  	_ =	swait.ge [sflag:s23], $0x1  }
0xa9: {  	[sflag:s23] =	ssyncset.done $0x0  }
0xaa: {  	s25 =	simm.s32 $0x1B8E;
	s24 =	sld [smem:$0x3FFE];
	[sflag:s23] =	ssyncadd.s32 $0xFFFFFFFF  }
0xab: {  	s26 =	simm.s32 $execute0_lowered;
	[smem:$0x3FD2] =	sst s25  }
0xac: {  	s6 =	sshll.u32 s26, $0x1;
	_ =	strace $0x80000046;
	[dreg:$0x1] =	wrdreg $0xFFFFFFFF  }
0xad: {  	s28 =	simm.s32 $_size_execute0_lowered;
	s4 =	sadd.s32 s4, s6;
	[dreg:$0x0] =	wrdreg $0x0  }
0xae: {  	s6 =	sshll.u32 s28, $0x1;
	[dreg:$0x2] =	wrdreg s4  }
0xaf: {  	[dreg:$0x3] =	wrdreg s6  }
0xb0: {  	[dreg:$0x4] =	wrdreg $0xC0  }
0xb1: {  	_ =	task [dreg:s8], $0x5FFFF  }
0xb2: {  	[dreg:$0x1] =	wrdreg $0xFFFFFFFF  }
0xb3: {  	[dreg:$0x0] =	wrdreg $0x60  }
0xb4: {  	[dreg:$0x2] =	wrdreg s24  }
0xb5: {  	[dreg:$0x3] =	wrdreg s16  }
0xb6: {  	[dreg:$0x4] =	wrdreg s17  }
0xb7: {  	[dreg:$0x5] =	wrdreg $0x9  }
0xb8: {  	_ =	task.clear_ibuf [dreg:s8], $0x6FFFF;
	_ =	strace $0x90000046  }
0xb9: {  	s29 =	simm.s32 $0x9;
	_ =	strace $0x80000048  }
0xba: {  	_ =	swait.ge [sflag:s29], $0x1  }
0xbb: {  	[sflag:s29] =	ssyncadd.s32 $0xFFFFFFFF  }
0xbc: {  	_ =	strace $0x90000048  }
0xbd: {  	_ =	sfence  }
0xbe: {  	s30 =	sld [smem:$0x0];
	_ =	sdelay $0x2  }
0xbf: {  	s31 =	sshll.u32 s1, $0xD;
	s1 =	sshrl.u32 s1, $0x2  }
0xc0: {  	s3 =	sand.u32 $0x4000, s31;
	s1 =	sadd.s32 s1, s30  }
0xc1: {  	s0 =	sor.u32 s3, s0;
	s1 =	sshll.u32 s1, $0x11  }
0xc2: {  	s0 =	sor.u32 s1, s0  }
0xc3: {  	s0 =	sadd.s32 $0x8F2B, s0  }
0xc4: {  	[sflag:s0] =	ssyncadd.remote.s32 $0x1  }
0xc5: {  	_ =	sfence.sel $0xFFFF  }
0xc6: {  	[dreg:$0x0] =	wrdreg $0xFFFFFFFF;
	(pc) =	sbr.abs _section_cstart, $3  }
0xc7: {  	[dreg:$0x1] =	wrdreg $0xFFFFFFFF  }
0xc8: {  	_ =	task.clear_ibuf [dreg:s8], $0x2FFFF;
	_ =	strace $0x9FFFFFFF  }
0xc9: {  	(tm) =	ssettm $0x7FFFFFFF  }
tec
execute0_lowered:
.L_overlay_start_1:
0x0: {  	(tag) =	ssettag $0x1  }
0x1: {  	v0 =	vlaneseq.u32  }
0x2: {  	v0 =	vmul.u32 $0x8, v0;
	_ =	sdelay $0x1  }
0x3: {  	v1 =	vor.u32 $0x2, v0;
	v6 =	vor.u32 $0x82, v0;
	v7 =	vor.u32 $0x83, v0  }
0x4: {  	v8 =	vor.u32 $0x84, v0;
	v9 =	vor.u32 $0x85, v0;
	v10 =	vor.u32 $0x86, v0  }
0x5: {  	v11 =	vor.u32 $0x102, v0;
	v12 =	vor.u32 $0x103, v0;
	v13 =	vor.u32 $0x104, v0  }
0x6: {  	v14 =	vor.u32 $0x105, v0;
	v15 =	vor.u32 $0x106, v0;
	v16 =	vor.u32 $0x182, v0  }
0x7: {  	v17 =	vor.u32 $0x183, v0;
	v18 =	vor.u32 $0x184, v0;
	v19 =	vor.u32 $0x185, v0  }
0x8: {  	v20 =	vor.u32 $0x186, v0;
	v21 =	vor.u32 $0x202, v0;
	v22 =	vor.u32 $0x203, v0  }
0x9: {  	v23 =	vor.u32 $0x204, v0;
	v24 =	vor.u32 $0x205, v0;
	v25 =	vor.u32 $0x206, v0  }
0xa: {  	v26 =	vor.u32 $0x282, v0;
	v27 =	vor.u32 $0x283, v0;
	v28 =	vor.u32 $0x284, v0  }
0xb: {  	v29 =	vor.u32 $0x285, v0;
	v30 =	vor.u32 $0x286, v0;
	v31 =	vor.u32 $0x302, v0  }
0xc: {  	v32 =	vor.u32 $0x303, v0;
	v33 =	vor.u32 $0x304, v0;
	v34 =	vor.u32 $0x305, v0  }
0xd: {  	s5 =	rddreg [dreg:$0x0];
	v35 =	vor.u32 $0x306, v0;
	v36 =	vor.u32 $0x382, v0;
	v37 =	vor.u32 $0x383, v0  }
0xe: {  	s6 =	rddreg [dreg:$0x1];
	v38 =	vor.u32 $0x384, v0;
	v39 =	vor.u32 $0x385, v0;
	v40 =	vor.u32 $0x386, v0  }
0xf: {  	s1 =	srdreg.scid;
	s0 =	stileid.u32;
	v41 =	vor.u32 $0x402, v0;
	v42 =	vor.u32 $0x403, v0;
	v43 =	vor.u32 $0x404, v0  }
0x10: {  	s7 =	rddreg [dreg:$0x2];
	s2 =	simm.s32 $0x0;
	s12 =	simm.s32 $0x1680;
	v44 =	vor.u32 $0x405, v0;
	v45 =	vor.u32 $0x406, v0;
	v46 =	vor.u32 $0x482, v0  }
0x11: {  	s3 =	sand.u32 $0x1, s1;
	s4 =	sshll.u32 s0, $0x1;
	s1 =	rddreg [dreg:$0x3];
	v47 =	vor.u32 $0x483, v0;
	v48 =	vor.u32 $0x484, v0;
	v49 =	vor.u32 $0x485, v0  }
0x12: {  	s13 =	simm.s32 $0x1780;
	[smem:$0x7FF] =	sst s2;
	s4 =	sor.u32 s3, s4;
	v50 =	vor.u32 $0x486, v0;
	v51 =	vor.u32 $0x502, v0;
	[tilespmem:$0x1FFB0] =	vst v1;
	v1 =	vor.u32 $0x3, v0  }
0x13: {  	s8 =	ssub.s32 $0x2, s3;
	s3 =	sadd.s32 $0x6400, s5;
	s9 =	smul.u32 $0xC8, s4;
	v52 =	vor.u32 $0x503, v0;
	v53 =	vor.u32 $0x504, v0;
	[tilespmem:$0x1FFC0] =	vst v1;
	v1 =	vor.u32 $0x4, v0  }
0x14: {  	s10 =	sshrl.u32 s8, $0x1;
	s11 =	smul.u32 $0x19, s4;
	s4 =	sadd.s32 $0x6200, s5;
	v54 =	vor.u32 $0x505, v0;
	v55 =	vor.u32 $0x506, v0;
	[tilespmem:$0x1FFD0] =	vst v1;
	v1 =	vor.u32 $0x5, v0  }
0x15: {  	v56 =	vor.u32 $0x582, v0;
	v57 =	vor.u32 $0x583, v0;
	s8 =	ssub.s32 s8, s10;
	s10 =	simm.s32 $0xE80;
	s5 =	sadd.s32 s5, s9;
	[tilespmem:$0x1FFE0] =	vst v1;
	v1 =	vor.u32 $0x6, v0  }
0x16: {  	v58 =	vor.u32 $0x584, v0;
	v59 =	vor.u32 $0x585, v0;
	v60 =	vor.u32 $0x586, v0;
	s6 =	sadd.s32 s6, s11;
	s7 =	sadd.s32 s7, s11;
	s8 =	smax.u32 s8, $0x1;
	[tilespmem:$0x1FFF0] =	vst v1  }
0x17: {  	v61 =	vor.u32 $0x602, v0;
	v62 =	vor.u32 $0x603, v0;
	v63 =	vor.u32 $0x604, v0;
	s9 =	simm.s32 $0x680;
	s11 =	simm.s32 $0x1;
	_ =	strace $0x80000047  }
.LBB2_1:
0x18: {  	[tilespmem:s2], [sflag:$0x1] =	stream.linear.gather [hbm4b:s5+s2], $0x640, $0x38;
	[tilespmem:$0x1880] =	vst v63  }
0x19: {  	_ = 	snop  }
0x1a: {  	[tilespmem:s9], [sflag:$0x1] =	stream.linear.gather [hbm4b:s3+s2], $0x800, $0x38;
	[tilespmem:$0x1880] =	vst v63  }
0x1b: {  	_ = 	snop  }
0x1c: {  	[tilespmem:s10], [sflag:$0x1] =	stream.linear.gather [hbm4b:s4+s2], $0x800, $0x38;
	[tilespmem:$0x1880] =	vst v63  }
0x1d: {  	_ =	swait.ge [sflag:s11], $0x640  }
0x1e: {  	[sflag:s11] =	ssyncset.done $0x0  }
0x1f: {  	[sflag:s11] =	ssyncadd.s32 $0xFFFFF9C0  }
0x20: {  	_ =	swait.ge [sflag:s11], $0x800  }
0x21: {  	[sflag:s11] =	ssyncset.done $0x0  }
0x22: {  	[sflag:s11] =	ssyncadd.s32 $0xFFFFF800  }
0x23: {  	_ =	swait.ge [sflag:s11], $0x800  }
0x24: {  	v1 =	vld [tilespmem:$0x1FFE0]  }
0x25: {  	v2 =	vld [tilespmem:$0x1FFF0];
	_ =	sdelay $0x3  }
0x26: {  	v3 =	vld [tilespmem:$0x1FFB0]  }
0x27: {  	[sflag:s11] =	ssyncset.done $0x0;
	v4 =	vld [tilespmem:$0x1FFC0]  }
0x28: {  	v5 =	vld [tilespmem:$0x1FFD0];
	[sflag:s11] =	ssyncadd.s32 $0xFFFFF800  }
0x29: {  	v1 =	vld.idx.msk [tilespmem:v1+s2+$0x0], $0xffff  }
0x2a: {  	v2 =	vld.idx.msk [tilespmem:v2+s2+$0x0], $0xffff;
	_ =	sdelay $0x3  }
0x2b: {  	v1 =	vand.u32 $0x7FF, v1  }
0x2c: {  	v3 =	vld.idx.msk [tilespmem:v3+s2+$0x0], $0xffff;
	v2 =	vand.u32 $0x7FF, v2  }
0x2d: {  	v4 =	vld.idx.msk [tilespmem:v4+s2+$0x0], $0xffff  }
0x2e: {  	v5 =	vld.idx.msk [tilespmem:v5+s2+$0x0], $0xffff;
	_ =	sdelay $0x1  }
0x2f: {  	v1 =	vld.idx.msk [tilespmem:v1+s9+$0x0], $0xffff  }
0x30: {  	v3 =	vadd.f32 v3, v3;
	v2 =	vld.idx.msk [tilespmem:v2+s10+$0x0], $0xffff  }
0x31: {  	v4 =	vadd.f32 v4, v4  }
0x32: {  	v3 =	vsub.f32 v5, v3  }
0x33: {  	v4 =	vsub.f32 v5, v4  }
0x34: {  	v1 =	vadd.f32 v1, v3  }
0x35: {  	v2 =	vadd.f32 v2, v4  }
0x36: {  	v1 =	vmul.f32 $7.812500000e-03, v1  }
0x37: {  	v2 =	vmul.f32 $7.812500000e-03, v2  }
0x38: {  	[tilespmem:$0x1680] =	vst v1  }
0x39: {  	[tilespmem:$0x1780] =	vst v2  }
0x3a: {  	v1 =	vld.idx.msk [tilespmem:v9+s2+$0x0], $0xffff  }
0x3b: {  	v2 =	vld.idx.msk [tilespmem:v10+s2+$0x0], $0xffff;
	_ =	sdelay $0x3  }
0x3c: {  	v1 =	vand.u32 $0x7FF, v1  }
0x3d: {  	v3 =	vld.idx.msk [tilespmem:v6+s2+$0x0], $0xffff;
	v2 =	vand.u32 $0x7FF, v2  }
0x3e: {  	v4 =	vld.idx.msk [tilespmem:v7+s2+$0x0], $0xffff  }
0x3f: {  	v5 =	vld.idx.msk [tilespmem:v8+s2+$0x0], $0xffff;
	_ =	sdelay $0x1  }
0x40: {  	v1 =	vld.idx.msk [tilespmem:v1+s9+$0x0], $0xffff  }
0x41: {  	v3 =	vadd.f32 v3, v3;
	v2 =	vld.idx.msk [tilespmem:v2+s10+$0x0], $0xffff  }
0x42: {  	v4 =	vadd.f32 v4, v4  }
0x43: {  	v3 =	vsub.f32 v5, v3  }
0x44: {  	v4 =	vsub.f32 v5, v4  }
0x45: {  	v1 =	vadd.f32 v1, v3  }
0x46: {  	v2 =	vadd.f32 v2, v4  }
0x47: {  	v1 =	vmul.f32 $7.812500000e-03, v1  }
0x48: {  	v2 =	vmul.f32 $7.812500000e-03, v2  }
0x49: {  	[tilespmem:$0x1690] =	vst v1  }
0x4a: {  	[tilespmem:$0x1790] =	vst v2  }
0x4b: {  	v1 =	vld.idx.msk [tilespmem:v14+s2+$0x0], $0xffff  }
0x4c: {  	v2 =	vld.idx.msk [tilespmem:v15+s2+$0x0], $0xffff;
	_ =	sdelay $0x3  }
0x4d: {  	v1 =	vand.u32 $0x7FF, v1  }
0x4e: {  	v3 =	vld.idx.msk [tilespmem:v11+s2+$0x0], $0xffff;
	v2 =	vand.u32 $0x7FF, v2  }
0x4f: {  	v4 =	vld.idx.msk [tilespmem:v12+s2+$0x0], $0xffff  }
0x50: {  	v5 =	vld.idx.msk [tilespmem:v13+s2+$0x0], $0xffff;
	_ =	sdelay $0x1  }
0x51: {  	v1 =	vld.idx.msk [tilespmem:v1+s9+$0x0], $0xffff  }
0x52: {  	v3 =	vadd.f32 v3, v3;
	v2 =	vld.idx.msk [tilespmem:v2+s10+$0x0], $0xffff  }
0x53: {  	v4 =	vadd.f32 v4, v4  }
0x54: {  	v3 =	vsub.f32 v5, v3  }
0x55: {  	v4 =	vsub.f32 v5, v4  }
0x56: {  	v1 =	vadd.f32 v1, v3  }
0x57: {  	v2 =	vadd.f32 v2, v4  }
0x58: {  	v1 =	vmul.f32 $7.812500000e-03, v1  }
0x59: {  	v2 =	vmul.f32 $7.812500000e-03, v2  }
0x5a: {  	[tilespmem:$0x16A0] =	vst v1  }
0x5b: {  	[tilespmem:$0x17A0] =	vst v2  }
0x5c: {  	v1 =	vld.idx.msk [tilespmem:v19+s2+$0x0], $0xffff  }
0x5d: {  	v2 =	vld.idx.msk [tilespmem:v20+s2+$0x0], $0xffff;
	_ =	sdelay $0x3  }
0x5e: {  	v1 =	vand.u32 $0x7FF, v1  }
0x5f: {  	v3 =	vld.idx.msk [tilespmem:v16+s2+$0x0], $0xffff;
	v2 =	vand.u32 $0x7FF, v2  }
0x60: {  	v4 =	vld.idx.msk [tilespmem:v17+s2+$0x0], $0xffff  }
0x61: {  	v5 =	vld.idx.msk [tilespmem:v18+s2+$0x0], $0xffff;
	_ =	sdelay $0x1  }
0x62: {  	v1 =	vld.idx.msk [tilespmem:v1+s9+$0x0], $0xffff  }
0x63: {  	v3 =	vadd.f32 v3, v3;
	v2 =	vld.idx.msk [tilespmem:v2+s10+$0x0], $0xffff  }
0x64: {  	v4 =	vadd.f32 v4, v4  }
0x65: {  	v3 =	vsub.f32 v5, v3  }
0x66: {  	v4 =	vsub.f32 v5, v4  }
0x67: {  	v1 =	vadd.f32 v1, v3  }
0x68: {  	v2 =	vadd.f32 v2, v4  }
0x69: {  	v1 =	vmul.f32 $7.812500000e-03, v1  }
0x6a: {  	v2 =	vmul.f32 $7.812500000e-03, v2  }
0x6b: {  	[tilespmem:$0x16B0] =	vst v1  }
0x6c: {  	[tilespmem:$0x17B0] =	vst v2  }
0x6d: {  	v1 =	vld.idx.msk [tilespmem:v24+s2+$0x0], $0xffff  }
0x6e: {  	v2 =	vld.idx.msk [tilespmem:v25+s2+$0x0], $0xffff;
	_ =	sdelay $0x3  }
0x6f: {  	v1 =	vand.u32 $0x7FF, v1  }
0x70: {  	v3 =	vld.idx.msk [tilespmem:v21+s2+$0x0], $0xffff;
	v2 =	vand.u32 $0x7FF, v2  }
0x71: {  	v4 =	vld.idx.msk [tilespmem:v22+s2+$0x0], $0xffff  }
0x72: {  	v5 =	vld.idx.msk [tilespmem:v23+s2+$0x0], $0xffff;
	_ =	sdelay $0x1  }
0x73: {  	v1 =	vld.idx.msk [tilespmem:v1+s9+$0x0], $0xffff  }
0x74: {  	v3 =	vadd.f32 v3, v3;
	v2 =	vld.idx.msk [tilespmem:v2+s10+$0x0], $0xffff  }
0x75: {  	v4 =	vadd.f32 v4, v4  }
0x76: {  	v3 =	vsub.f32 v5, v3  }
0x77: {  	v4 =	vsub.f32 v5, v4  }
0x78: {  	v1 =	vadd.f32 v1, v3  }
0x79: {  	v2 =	vadd.f32 v2, v4  }
0x7a: {  	v1 =	vmul.f32 $7.812500000e-03, v1  }
0x7b: {  	v2 =	vmul.f32 $7.812500000e-03, v2  }
0x7c: {  	[tilespmem:$0x16C0] =	vst v1  }
0x7d: {  	[tilespmem:$0x17C0] =	vst v2  }
0x7e: {  	v1 =	vld.idx.msk [tilespmem:v29+s2+$0x0], $0xffff  }
0x7f: {  	v2 =	vld.idx.msk [tilespmem:v30+s2+$0x0], $0xffff;
	_ =	sdelay $0x3  }
0x80: {  	v1 =	vand.u32 $0x7FF, v1  }
0x81: {  	v3 =	vld.idx.msk [tilespmem:v26+s2+$0x0], $0xffff;
	v2 =	vand.u32 $0x7FF, v2  }
0x82: {  	v4 =	vld.idx.msk [tilespmem:v27+s2+$0x0], $0xffff  }
0x83: {  	v5 =	vld.idx.msk [tilespmem:v28+s2+$0x0], $0xffff;
	_ =	sdelay $0x1  }
0x84: {  	v1 =	vld.idx.msk [tilespmem:v1+s9+$0x0], $0xffff  }
0x85: {  	v3 =	vadd.f32 v3, v3;
	v2 =	vld.idx.msk [tilespmem:v2+s10+$0x0], $0xffff  }
0x86: {  	v4 =	vadd.f32 v4, v4  }
0x87: {  	v3 =	vsub.f32 v5, v3  }
0x88: {  	v4 =	vsub.f32 v5, v4  }
0x89: {  	v1 =	vadd.f32 v1, v3  }
0x8a: {  	v2 =	vadd.f32 v2, v4  }
0x8b: {  	v1 =	vmul.f32 $7.812500000e-03, v1  }
0x8c: {  	v2 =	vmul.f32 $7.812500000e-03, v2  }
0x8d: {  	[tilespmem:$0x16D0] =	vst v1  }
0x8e: {  	[tilespmem:$0x17D0] =	vst v2  }
0x8f: {  	v1 =	vld.idx.msk [tilespmem:v34+s2+$0x0], $0xffff  }
0x90: {  	v2 =	vld.idx.msk [tilespmem:v35+s2+$0x0], $0xffff;
	_ =	sdelay $0x3  }
0x91: {  	v1 =	vand.u32 $0x7FF, v1  }
0x92: {  	v3 =	vld.idx.msk [tilespmem:v31+s2+$0x0], $0xffff;
	v2 =	vand.u32 $0x7FF, v2  }
0x93: {  	v4 =	vld.idx.msk [tilespmem:v32+s2+$0x0], $0xffff  }
0x94: {  	v5 =	vld.idx.msk [tilespmem:v33+s2+$0x0], $0xffff;
	_ =	sdelay $0x1  }
0x95: {  	v1 =	vld.idx.msk [tilespmem:v1+s9+$0x0], $0xffff  }
0x96: {  	v3 =	vadd.f32 v3, v3;
	v2 =	vld.idx.msk [tilespmem:v2+s10+$0x0], $0xffff  }
0x97: {  	v4 =	vadd.f32 v4, v4  }
0x98: {  	v3 =	vsub.f32 v5, v3  }
0x99: {  	v4 =	vsub.f32 v5, v4  }
0x9a: {  	v1 =	vadd.f32 v1, v3  }
0x9b: {  	v2 =	vadd.f32 v2, v4  }
0x9c: {  	v1 =	vmul.f32 $7.812500000e-03, v1  }
0x9d: {  	v2 =	vmul.f32 $7.812500000e-03, v2  }
0x9e: {  	[tilespmem:$0x16E0] =	vst v1  }
0x9f: {  	[tilespmem:$0x17E0] =	vst v2  }
0xa0: {  	v1 =	vld.idx.msk [tilespmem:v39+s2+$0x0], $0xffff  }
0xa1: {  	v2 =	vld.idx.msk [tilespmem:v40+s2+$0x0], $0xffff;
	_ =	sdelay $0x3  }
0xa2: {  	v1 =	vand.u32 $0x7FF, v1  }
0xa3: {  	v3 =	vld.idx.msk [tilespmem:v36+s2+$0x0], $0xffff;
	v2 =	vand.u32 $0x7FF, v2  }
0xa4: {  	v4 =	vld.idx.msk [tilespmem:v37+s2+$0x0], $0xffff  }
0xa5: {  	v5 =	vld.idx.msk [tilespmem:v38+s2+$0x0], $0xffff;
	_ =	sdelay $0x1  }
0xa6: {  	v1 =	vld.idx.msk [tilespmem:v1+s9+$0x0], $0xffff  }
0xa7: {  	v3 =	vadd.f32 v3, v3;
	v2 =	vld.idx.msk [tilespmem:v2+s10+$0x0], $0xffff  }
0xa8: {  	v4 =	vadd.f32 v4, v4  }
0xa9: {  	v3 =	vsub.f32 v5, v3  }
0xaa: {  	v4 =	vsub.f32 v5, v4  }
0xab: {  	v1 =	vadd.f32 v1, v3  }
0xac: {  	v2 =	vadd.f32 v2, v4  }
0xad: {  	v1 =	vmul.f32 $7.812500000e-03, v1  }
0xae: {  	v2 =	vmul.f32 $7.812500000e-03, v2  }
0xaf: {  	[tilespmem:$0x16F0] =	vst v1  }
0xb0: {  	[tilespmem:$0x17F0] =	vst v2  }
0xb1: {  	v1 =	vld.idx.msk [tilespmem:v44+s2+$0x0], $0xffff  }
0xb2: {  	v2 =	vld.idx.msk [tilespmem:v45+s2+$0x0], $0xffff;
	_ =	sdelay $0x3  }
0xb3: {  	v1 =	vand.u32 $0x7FF, v1  }
0xb4: {  	v3 =	vld.idx.msk [tilespmem:v41+s2+$0x0], $0xffff;
	v2 =	vand.u32 $0x7FF, v2  }
0xb5: {  	v4 =	vld.idx.msk [tilespmem:v42+s2+$0x0], $0xffff  }
0xb6: {  	v5 =	vld.idx.msk [tilespmem:v43+s2+$0x0], $0xffff;
	_ =	sdelay $0x1  }
0xb7: {  	v1 =	vld.idx.msk [tilespmem:v1+s9+$0x0], $0xffff  }
0xb8: {  	v3 =	vadd.f32 v3, v3;
	v2 =	vld.idx.msk [tilespmem:v2+s10+$0x0], $0xffff  }
0xb9: {  	v4 =	vadd.f32 v4, v4  }
0xba: {  	v3 =	vsub.f32 v5, v3  }
0xbb: {  	v4 =	vsub.f32 v5, v4  }
0xbc: {  	v1 =	vadd.f32 v1, v3  }
0xbd: {  	v2 =	vadd.f32 v2, v4  }
0xbe: {  	v1 =	vmul.f32 $7.812500000e-03, v1  }
0xbf: {  	v2 =	vmul.f32 $7.812500000e-03, v2  }
0xc0: {  	[tilespmem:$0x1700] =	vst v1  }
0xc1: {  	[tilespmem:$0x1800] =	vst v2  }
0xc2: {  	v1 =	vld.idx.msk [tilespmem:v49+s2+$0x0], $0xffff  }
0xc3: {  	v2 =	vld.idx.msk [tilespmem:v50+s2+$0x0], $0xffff;
	_ =	sdelay $0x3  }
0xc4: {  	v1 =	vand.u32 $0x7FF, v1  }
0xc5: {  	v3 =	vld.idx.msk [tilespmem:v46+s2+$0x0], $0xffff;
	v2 =	vand.u32 $0x7FF, v2  }
0xc6: {  	v4 =	vld.idx.msk [tilespmem:v47+s2+$0x0], $0xffff  }
0xc7: {  	v5 =	vld.idx.msk [tilespmem:v48+s2+$0x0], $0xffff;
	_ =	sdelay $0x1  }
0xc8: {  	v1 =	vld.idx.msk [tilespmem:v1+s9+$0x0], $0xffff  }
0xc9: {  	v3 =	vadd.f32 v3, v3;
	v2 =	vld.idx.msk [tilespmem:v2+s10+$0x0], $0xffff  }
0xca: {  	v4 =	vadd.f32 v4, v4  }
0xcb: {  	v3 =	vsub.f32 v5, v3  }
0xcc: {  	v4 =	vsub.f32 v5, v4  }
0xcd: {  	v1 =	vadd.f32 v1, v3  }
0xce: {  	v2 =	vadd.f32 v2, v4  }
0xcf: {  	v1 =	vmul.f32 $7.812500000e-03, v1  }
0xd0: {  	v2 =	vmul.f32 $7.812500000e-03, v2  }
0xd1: {  	[tilespmem:$0x1710] =	vst v1  }
0xd2: {  	[tilespmem:$0x1810] =	vst v2  }
0xd3: {  	v1 =	vld.idx.msk [tilespmem:v54+s2+$0x0], $0xffff  }
0xd4: {  	v2 =	vld.idx.msk [tilespmem:v55+s2+$0x0], $0xffff;
	_ =	sdelay $0x3  }
0xd5: {  	v1 =	vand.u32 $0x7FF, v1  }
0xd6: {  	v3 =	vld.idx.msk [tilespmem:v51+s2+$0x0], $0xffff;
	v2 =	vand.u32 $0x7FF, v2  }
0xd7: {  	v4 =	vld.idx.msk [tilespmem:v52+s2+$0x0], $0xffff  }
0xd8: {  	v5 =	vld.idx.msk [tilespmem:v53+s2+$0x0], $0xffff;
	_ =	sdelay $0x1  }
0xd9: {  	v1 =	vld.idx.msk [tilespmem:v1+s9+$0x0], $0xffff  }
0xda: {  	v3 =	vadd.f32 v3, v3;
	v2 =	vld.idx.msk [tilespmem:v2+s10+$0x0], $0xffff  }
0xdb: {  	v4 =	vadd.f32 v4, v4  }
0xdc: {  	v3 =	vsub.f32 v5, v3  }
0xdd: {  	v4 =	vsub.f32 v5, v4  }
0xde: {  	v1 =	vadd.f32 v1, v3  }
0xdf: {  	v2 =	vadd.f32 v2, v4  }
0xe0: {  	v1 =	vmul.f32 $7.812500000e-03, v1  }
0xe1: {  	v2 =	vmul.f32 $7.812500000e-03, v2  }
0xe2: {  	[tilespmem:$0x1720] =	vst v1  }
0xe3: {  	[tilespmem:$0x1820] =	vst v2  }
0xe4: {  	v1 =	vld.idx.msk [tilespmem:v59+s2+$0x0], $0xffff  }
0xe5: {  	v2 =	vld.idx.msk [tilespmem:v60+s2+$0x0], $0xffff;
	_ =	sdelay $0x3  }
0xe6: {  	v1 =	vand.u32 $0x7FF, v1  }
0xe7: {  	v3 =	vld.idx.msk [tilespmem:v56+s2+$0x0], $0xffff;
	v2 =	vand.u32 $0x7FF, v2  }
0xe8: {  	v4 =	vld.idx.msk [tilespmem:v57+s2+$0x0], $0xffff  }
0xe9: {  	v5 =	vld.idx.msk [tilespmem:v58+s2+$0x0], $0xffff;
	_ =	sdelay $0x1  }
0xea: {  	v1 =	vld.idx.msk [tilespmem:v1+s9+$0x0], $0xffff  }
0xeb: {  	v3 =	vadd.f32 v3, v3;
	v2 =	vld.idx.msk [tilespmem:v2+s10+$0x0], $0xffff  }
0xec: {  	v4 =	vadd.f32 v4, v4  }
0xed: {  	v3 =	vsub.f32 v5, v3  }
0xee: {  	v4 =	vsub.f32 v5, v4  }
0xef: {  	v1 =	vadd.f32 v1, v3  }
0xf0: {  	v2 =	vadd.f32 v2, v4;
	v3 =	vor.u32 $0x605, v0  }
0xf1: {  	v4 =	vor.u32 $0x606, v0;
	v1 =	vmul.f32 $7.812500000e-03, v1  }
0xf2: {  	v2 =	vmul.f32 $7.812500000e-03, v2  }
0xf3: {  	[tilespmem:$0x1730] =	vst v1  }
0xf4: {  	[tilespmem:$0x1830] =	vst v2  }
0xf5: {  	v1 =	vld.idx.msk [tilespmem:v3+s2+$0x0], $0xffff  }
0xf6: {  	v2 =	vld.idx.msk [tilespmem:v4+s2+$0x0], $0xffff;
	_ =	sdelay $0x3  }
0xf7: {  	v1 =	vand.u32 $0x7FF, v1  }
0xf8: {  	v3 =	vld.idx.msk [tilespmem:v61+s2+$0x0], $0xffff;
	v2 =	vand.u32 $0x7FF, v2  }
0xf9: {  	v4 =	vld.idx.msk [tilespmem:v62+s2+$0x0], $0xffff  }
0xfa: {  	v5 =	vld.idx.msk [tilespmem:v63+s2+$0x0], $0xffff;
	_ =	sdelay $0x1  }
0xfb: {  	v1 =	vld.idx.msk [tilespmem:v1+s9+$0x0], $0xffff  }
0xfc: {  	v3 =	vadd.f32 v3, v3;
	v2 =	vld.idx.msk [tilespmem:v2+s10+$0x0], $0xffff  }
0xfd: {  	v4 =	vadd.f32 v4, v4  }
0xfe: {  	v3 =	vsub.f32 v5, v3  }
0xff: {  	v4 =	vsub.f32 v5, v4  }
0x100: {  	v1 =	vadd.f32 v1, v3  }
0x101: {  	v2 =	vadd.f32 v2, v4  }
0x102: {  	v1 =	vmul.f32 $7.812500000e-03, v1  }
0x103: {  	v2 =	vmul.f32 $7.812500000e-03, v2  }
0x104: {  	[tilespmem:$0x1740] =	vst v1  }
0x105: {  	[tilespmem:$0x1840] =	vst v2  }
0x106: {  	[hbm4b:s6+s2] =	stream.linear.scatter [tilespmem:s12], [sflag:$0x1], $0xC8, $0x38;
	[tilespmem:$0x1880] =	vst v63  }
0x107: {  	_ = 	snop  }
0x108: {  	[hbm4b:s7+s2] =	stream.linear.scatter [tilespmem:s13], [sflag:$0x1], $0xC8, $0x38;
	[tilespmem:$0x1880] =	vst v63  }
0x109: {  	p0 =	sne.s32 s8, $0x1;
	_ =	swait.ge [sflag:s11], $0xC8  }
.Ltmp0:
0x10a: {  	[sflag:s11] =	ssyncset.done $0x0;
	(pc) =	sbr.rel @p0 .LBB2_1-.Ltmp0, $4  }
0x10b: {  	[sflag:s11] =	ssyncadd.s32 $0xFFFFFF38  }
0x10c: {  	_ =	swait.ge [sflag:s11], $0xC8  }
0x10d: {  	[sflag:s11] =	ssyncset.done $0x0  }
0x10e: {  	s8 =	sadd.s32 $0xFFFFFFFF, s8;
	[sflag:s11] =	ssyncadd.s32 $0xFFFFFF38  }
0x10f: {  	_ =	sfence.sel $0x180000  }
0x110: {  	[bflag:$0x0] =	sbarrier.arrive $0xFFFF  }
0x111: {  	p0 =	sne.s32 s0, $0x0;
	_ =	strace $0x90000047  }
0x112: {  	s0 =	sadd.s32 @!p0 $0x100000, s1;
	[bflag:$0x2] =	sbarrier.arrive $0xFFFF  }
0x113: {  	[sflag:s0] =	ssyncadd.tile.s32 @!p0 $0x1;
	_ =	shalt  }
.Lfunc_end2:
_tile_overlayer_lowered:
.L_overlay_start_2:
0x114: {  	(tag) =	ssettag $0x2  }
0x115: {  	s0 =	rddreg [dreg:$0x0];
	s2 =	stileid.u32  }
0x116: {  	s1 =	rddreg [dreg:$0x1];
	p0 =	sne.s32 s2, $0x0  }
0x117: {  	s3 =	rddreg [dreg:$0x2];
	[bflag:$0x3] =	sbarrier.arrive $0xFFFF;
	s2 =	simm.s32 @!p0 $0x1C02  }
0x118: {  	[timem:s3], [sflag:s2] =	dma.local @!p0 [hbm:s0], s1  }
0x119: {  	s0 =	simm.s32 @!p0 $0x2  }
0x11a: {  	_ =	swait.ge @!p0 [sflag:s0], s1  }
0x11b: {  	s1 =	ssub.s32 @!p0 $0x0, s1;
	[sflag:s0] =	ssyncset.done @!p0 $0x0  }
0x11c: {  	[sflag:s0] =	ssyncadd.s32 @!p0 s1  }
0x11d: {  	[bflag:$0x3] =	sbarrier.arrive $0xFFFF  }
0x11e: {  	_ =	shalt  }

</sc_bundles>
